<compile_context>
chip_gen: v7x
topology: tpu7x:2x2x1
jax: 0.10.2.dev20260603
libtpu: 0.0.44.dev20260713+nightly
codegen_flags: <defaults>
</compile_context>

<pallas_src>
import functools

import jax
import jax.numpy as jnp
from jax import lax
from jax.experimental import pallas as pl
from jax.experimental.pallas import tpu as pltpu
from jax.experimental.pallas import tpu_sc as plsc

_NUM_CLASSES = 100000
_FEAT_DIM = 64
_BATCH = 16384
_LANES = 16
_NC = 2
_NS = 16
_NW = _NC * _NS
_DPW = _FEAT_DIM // _NW
_FCH = 4096
_NFC = _BATCH // _FCH
_UNROLL = 4

_mesh = plsc.VectorSubcoreMesh(core_axis_name="c", subcore_axis_name="s")


@functools.partial(
    pl.kernel,
    mesh=_mesh,
    out_type=jax.ShapeDtypeStruct((_NW, _LANES), jnp.float32),
    scratch_types=[
        pltpu.VMEM((_BATCH,), jnp.int32),
        pltpu.VMEM((_NUM_CLASSES,), jnp.float32),
        pltpu.VMEM((2, _FCH), jnp.float32),
        pltpu.VMEM((_LANES,), jnp.float32),
        pltpu.VMEM_SHARED((_BATCH,), jnp.int32),
        pltpu.SemaphoreType.DMA,
        pltpu.SemaphoreType.DMA,
        pltpu.SemaphoreType.DMA,
    ],
    compiler_params=pltpu.CompilerParams(needs_layout_passes=False),
)
def _center_loss_sc(label_hbm, feature_t_hbm, centers_t_hbm, out_hbm,
                    lab_v, row_v, fch_v, part_v, lab_sh, rsem, fsem, lsem):
    sid = lax.axis_index("s")
    wid = sid * _NC + lax.axis_index("c")
    d0 = wid * _DPW

    rcopy = pltpu.async_copy(centers_t_hbm.at[d0], row_v, rsem)
    chunks = [(dd, c) for dd in range(_DPW) for c in range(_NFC)]
    fcopies = [
        pltpu.async_copy(
            feature_t_hbm.at[d0 + dd, pl.ds(c * _FCH, _FCH)],
            fch_v.at[k % 2],
            fsem,
        )
        for k, (dd, c) in enumerate(chunks[:2])
    ]
    @pl.when(sid == 0)
    def _():
        pltpu.sync_copy(label_hbm, lab_sh)

    plsc.subcore_barrier()
    lcopy = pltpu.async_copy(lab_sh, lab_v, lsem)

    rcopy.wait()
    lcopy.wait()

    accs = tuple(jnp.zeros((_LANES,), jnp.float32) for _ in range(_UNROLL))
    for k, (dd, c) in enumerate(chunks):
        if c == 0 and dd > 0:
            pltpu.async_copy(centers_t_hbm.at[d0 + dd], row_v, rsem).wait()
        fcopies[k].wait()

        def body(i, a, k=k, c=c):
            new = []
            for u in range(_UNROLL):
                off = i * (_UNROLL * _LANES) + u * _LANES
                lv = lab_v[pl.ds(c * _FCH + off, _LANES)]
                cv = plsc.load_gather(row_v, [lv])
                fv = fch_v[k % 2, pl.ds(off, _LANES)]
                dv = fv - cv
                new.append(a[u] + dv * dv)
            return tuple(new)

        accs = lax.fori_loop(0, _FCH // (_LANES * _UNROLL), body, accs)
        if k + 2 < len(chunks):
            dn, cn = chunks[k + 2]
            fcopies.append(
                pltpu.async_copy(
                    feature_t_hbm.at[d0 + dn, pl.ds(cn * _FCH, _FCH)],
                    fch_v.at[k % 2],
                    fsem,
                )
            )

    part_v[...] = (accs[0] + accs[1]) + (accs[2] + accs[3])
    pltpu.sync_copy(part_v, out_hbm.at[wid])


def kernel(label, feature, centers):
    lab = label.astype(jnp.int32)
    partials = _center_loss_sc(lab, feature.T, centers.T)
    return jnp.sum(partials) * 0.5

# --- scband reference (transcript-rebuilt; emitter-appended) ---
"""Pipeline reference for scband-center-loss-5411658793241 (READ-ONLY COPY).

The authoritative reference and input builder live on the scoring server;
editing this copy changes nothing except your own understanding.
"""

import jax, jax.numpy as jnp
import numpy as np

NUM_CLASSES = 100000
FEAT_DIM = 64
BATCH = 16384

def setup_inputs(seed: int = 0) -> dict:
    key = jax.random.key(seed)
    k1, k2, k3 = jax.random.split(key, 3)
    label = jax.random.randint(k1, (BATCH,), 0, NUM_CLASSES, dtype=jnp.int64 if jax.config.read('jax_enable_x64') else jnp.int32)
    feature = jax.random.normal(k2, (BATCH, FEAT_DIM), dtype=jnp.float32)
    centers = jax.random.normal(k3, (NUM_CLASSES, FEAT_DIM), dtype=jnp.float32)
    return {"label": label, "feature": feature, "centers": centers}

def reference(label, feature, centers):
    # CenterlossFunc.forward: gather centers by label, squared distance sum / 2
    centers_batch = jnp.take(centers, label, axis=0)
    diff = feature - centers_batch
    return jnp.sum(jnp.sum(diff ** 2, axis=1), axis=0) / 2.0

if __name__ == "__main__":
    import jax
    _d = setup_inputs()
    print(jax.jit(kernel)(*tuple(_d.values())))

</pallas_src>

<mosaic_0001>
#map = affine_map<(d0, d1) -> (0)>
#map1 = affine_map<(d0, d1) -> (0, 0)>
module attributes {stable_mosaic.version = 14 : i64} {
  func.func @_center_loss_sc(%arg0: i32, %arg1: i32, %arg2: memref<16384xi32, #tpu.memory_space<hbm>>, %arg3: memref<64x16384xf32, #tpu.memory_space<hbm>>, %arg4: memref<64x100000xf32, #tpu.memory_space<hbm>>, %arg5: memref<32x16xf32, #tpu.memory_space<hbm>>, %arg6: memref<16384xi32, #tpu.memory_space<vmem>>, %arg7: memref<100000xf32, #tpu.memory_space<vmem>>, %arg8: memref<2x4096xf32, #tpu.memory_space<vmem>>, %arg9: memref<16xf32, #tpu.memory_space<vmem>>, %arg10: memref<16384xi32, #tpu.memory_space<vmem_shared>>, %arg11: memref<!tpu.dma_semaphore, #tpu.memory_space<semaphore_mem>>, %arg12: memref<!tpu.dma_semaphore, #tpu.memory_space<semaphore_mem>>, %arg13: memref<!tpu.dma_semaphore, #tpu.memory_space<semaphore_mem>>) attributes {dimension_semantics = [#tpu.dimension_semantics<core_parallel>, #tpu.dimension_semantics<subcore_parallel>], iteration_bounds = array<i64: 2, 16>, scalar_prefetch = 0 : i64, scratch_operands = 8 : i64, tpu.core_type = #tpu.core_type<sc_vector_subcore>, window_params = [{transform_indices = #map}, {transform_indices = #map1}, {transform_indices = #map1}, {transform_indices = #map1}]} {
    %mul3A = arith.constant 2 : i32
    %mul3A_0 = arith.muli %arg1, %mul3A : i32
    %add3A = arith.addi %mul3A_0, %arg0 : i32
    %mul3A_1 = arith.constant 2 : i32
    %mul3A_2 = arith.muli %add3A, %mul3A_1 : i32
    %dma_start3A = arith.constant 0 : i32
    %dma_start3A_3 = tpu.memref_slice %arg4[%mul3A_2, %dma_start3A] : memref<64x100000xf32, #tpu.memory_space<hbm>> -> memref<1x100000xf32, #tpu.memory_space<hbm>>
    %dma_start3A_4 = tpu.memref_squeeze %dma_start3A_3 : memref<1x100000xf32, #tpu.memory_space<hbm>> -> memref<100000xf32, #tpu.memory_space<hbm>>
    %dma_start3A_5 = arith.constant 0 : i32
    %dma_start3A_6 = tpu.memref_slice %arg4[%mul3A_2, %dma_start3A_5] : memref<64x100000xf32, #tpu.memory_space<hbm>> -> memref<1x100000xf32, #tpu.memory_space<hbm>>
    %dma_start3A_7 = tpu.memref_squeeze %dma_start3A_6 : memref<1x100000xf32, #tpu.memory_space<hbm>> -> memref<100000xf32, #tpu.memory_space<hbm>>
    tpu.enqueue_dma source(%dma_start3A_7 : memref<100000xf32, #tpu.memory_space<hbm>>) target(%arg7 : memref<100000xf32, #tpu.memory_space<vmem>>) target_semaphore(%arg11 : memref<!tpu.dma_semaphore, #tpu.memory_space<semaphore_mem>>)
    %add3A_8 = arith.constant 0 : i32
    %add3A_9 = arith.addi %mul3A_2, %add3A_8 : i32
    %dma_start3A_10 = arith.constant 0 : i32
    %dma_start3A_11 = arith.constant 0 : i32
    %dma_start3A_12 = tpu.memref_slice %arg8[%dma_start3A_10, %dma_start3A_11] : memref<2x4096xf32, #tpu.memory_space<vmem>> -> memref<1x4096xf32, #tpu.memory_space<vmem>>
    %dma_start3A_13 = tpu.memref_squeeze %dma_start3A_12 : memref<1x4096xf32, #tpu.memory_space<vmem>> -> memref<4096xf32, #tpu.memory_space<vmem>>
    %dma_start3A_14 = arith.constant 0 : i32
    %dma_start3A_15 = tpu.memref_slice %arg3[%add3A_9, %dma_start3A_14] : memref<64x16384xf32, #tpu.memory_space<hbm>> -> memref<1x4096xf32, #tpu.memory_space<hbm>>
    %dma_start3A_16 = tpu.memref_squeeze %dma_start3A_15 : memref<1x4096xf32, #tpu.memory_space<hbm>> -> memref<4096xf32, #tpu.memory_space<hbm>>
    %dma_start3A_17 = arith.constant 0 : i32
    %dma_start3A_18 = tpu.memref_slice %arg8[%dma_start3A_10, %dma_start3A_17] : memref<2x4096xf32, #tpu.memory_space<vmem>> -> memref<1x4096xf32, #tpu.memory_space<vmem>>
    %dma_start3A_19 = tpu.memref_squeeze %dma_start3A_18 : memref<1x4096xf32, #tpu.memory_space<vmem>> -> memref<4096xf32, #tpu.memory_space<vmem>>
    %dma_start3A_20 = arith.constant 0 : i32
    %dma_start3A_21 = tpu.memref_slice %arg3[%add3A_9, %dma_start3A_20] : memref<64x16384xf32, #tpu.memory_space<hbm>> -> memref<1x4096xf32, #tpu.memory_space<hbm>>
    %dma_start3A_22 = tpu.memref_squeeze %dma_start3A_21 : memref<1x4096xf32, #tpu.memory_space<hbm>> -> memref<4096xf32, #tpu.memory_space<hbm>>
    tpu.enqueue_dma source(%dma_start3A_22 : memref<4096xf32, #tpu.memory_space<hbm>>) target(%dma_start3A_19 : memref<4096xf32, #tpu.memory_space<vmem>>) target_semaphore(%arg12 : memref<!tpu.dma_semaphore, #tpu.memory_space<semaphore_mem>>)
    %add3A_23 = arith.constant 0 : i32
    %add3A_24 = arith.addi %mul3A_2, %add3A_23 : i32
    %dma_start3A_25 = arith.constant 1 : i32
    %dma_start3A_26 = arith.constant 0 : i32
    %dma_start3A_27 = tpu.memref_slice %arg8[%dma_start3A_25, %dma_start3A_26] : memref<2x4096xf32, #tpu.memory_space<vmem>> -> memref<1x4096xf32, #tpu.memory_space<vmem>>
    %dma_start3A_28 = tpu.memref_squeeze %dma_start3A_27 : memref<1x4096xf32, #tpu.memory_space<vmem>> -> memref<4096xf32, #tpu.memory_space<vmem>>
    %dma_start3A_29 = arith.constant 4096 : i32
    %dma_start3A_30 = tpu.memref_slice %arg3[%add3A_24, %dma_start3A_29] : memref<64x16384xf32, #tpu.memory_space<hbm>> -> memref<1x4096xf32, #tpu.memory_space<hbm>>
    %dma_start3A_31 = tpu.memref_squeeze %dma_start3A_30 : memref<1x4096xf32, #tpu.memory_space<hbm>> -> memref<4096xf32, #tpu.memory_space<hbm>>
    %dma_start3A_32 = arith.constant 0 : i32
    %dma_start3A_33 = tpu.memref_slice %arg8[%dma_start3A_25, %dma_start3A_32] : memref<2x4096xf32, #tpu.memory_space<vmem>> -> memref<1x4096xf32, #tpu.memory_space<vmem>>
    %dma_start3A_34 = tpu.memref_squeeze %dma_start3A_33 : memref<1x4096xf32, #tpu.memory_space<vmem>> -> memref<4096xf32, #tpu.memory_space<vmem>>
    %dma_start3A_35 = arith.constant 4096 : i32
    %dma_start3A_36 = tpu.memref_slice %arg3[%add3A_24, %dma_start3A_35] : memref<64x16384xf32, #tpu.memory_space<hbm>> -> memref<1x4096xf32, #tpu.memory_space<hbm>>
    %dma_start3A_37 = tpu.memref_squeeze %dma_start3A_36 : memref<1x4096xf32, #tpu.memory_space<hbm>> -> memref<4096xf32, #tpu.memory_space<hbm>>
    tpu.enqueue_dma source(%dma_start3A_37 : memref<4096xf32, #tpu.memory_space<hbm>>) target(%dma_start3A_34 : memref<4096xf32, #tpu.memory_space<vmem>>) target_semaphore(%arg12 : memref<!tpu.dma_semaphore, #tpu.memory_space<semaphore_mem>>)
    %eq3A = arith.constant 0 : i32
    %eq3A_38 = arith.cmpi eq, %arg1, %eq3A : i32
    %convert_element_type3A = arith.extui %eq3A_38 : i1 to i32
    %cond3A = arith.constant 0 : i32
    %cond3A_39 = arith.cmpi ne, %convert_element_type3A, %cond3A : i32
    scf.if %cond3A_39 {
      "tpu.region"() ({
        %run_scoped3A = tpu.sem_alloc : memref<!tpu.dma_semaphore, #tpu.memory_space<semaphore_mem>>
        tpu.enqueue_dma source(%arg2 : memref<16384xi32, #tpu.memory_space<hbm>>) target(%arg10 : memref<16384xi32, #tpu.memory_space<vmem_shared>>) target_semaphore(%run_scoped3A : memref<!tpu.dma_semaphore, #tpu.memory_space<semaphore_mem>>)
        tpu.wait_dma2 semaphore(%run_scoped3A : memref<!tpu.dma_semaphore, #tpu.memory_space<semaphore_mem>>) src(%arg2 : memref<16384xi32, #tpu.memory_space<hbm>>) dst(%arg10 : memref<16384xi32, #tpu.memory_space<vmem_shared>>)
        tpu.yield
      }) : () -> ()
    } else {
    }
    %barrier3A = arith.constant 0 : index
    tpu.barrier barrier_id(%barrier3A)
    tpu.enqueue_dma source(%arg10 : memref<16384xi32, #tpu.memory_space<vmem_shared>>) target(%arg6 : memref<16384xi32, #tpu.memory_space<vmem>>) target_semaphore(%arg13 : memref<!tpu.dma_semaphore, #tpu.memory_space<semaphore_mem>>)
    %dma_wait3A = arith.constant 0 : i32
    %dma_wait3A_40 = tpu.memref_slice %arg4[%mul3A_2, %dma_wait3A] : memref<64x100000xf32, #tpu.memory_space<hbm>> -> memref<1x100000xf32, #tpu.memory_space<hbm>>
    %dma_wait3A_41 = tpu.memref_squeeze %dma_wait3A_40 : memref<1x100000xf32, #tpu.memory_space<hbm>> -> memref<100000xf32, #tpu.memory_space<hbm>>
    %dma_wait3A_42 = arith.constant 0 : i32
    %dma_wait3A_43 = tpu.memref_slice %arg4[%mul3A_2, %dma_wait3A_42] : memref<64x100000xf32, #tpu.memory_space<hbm>> -> memref<1x100000xf32, #tpu.memory_space<hbm>>
    %dma_wait3A_44 = tpu.memref_squeeze %dma_wait3A_43 : memref<1x100000xf32, #tpu.memory_space<hbm>> -> memref<100000xf32, #tpu.memory_space<hbm>>
    tpu.wait_dma2 semaphore(%arg11 : memref<!tpu.dma_semaphore, #tpu.memory_space<semaphore_mem>>) src(%dma_wait3A_44 : memref<100000xf32, #tpu.memory_space<hbm>>) dst(%arg7 : memref<100000xf32, #tpu.memory_space<vmem>>)
    tpu.wait_dma2 semaphore(%arg13 : memref<!tpu.dma_semaphore, #tpu.memory_space<semaphore_mem>>) src(%arg10 : memref<16384xi32, #tpu.memory_space<vmem_shared>>) dst(%arg6 : memref<16384xi32, #tpu.memory_space<vmem>>)
    %broadcast_in_dim3A = arith.constant 0.000000e+00 : f32
    %broadcast_in_dim3A_45 = vector.broadcast %broadcast_in_dim3A : f32 to vector<16xf32>
    %broadcast_in_dim3A_46 = arith.constant 0.000000e+00 : f32
    %broadcast_in_dim3A_47 = vector.broadcast %broadcast_in_dim3A_46 : f32 to vector<16xf32>
    %broadcast_in_dim3A_48 = arith.constant 0.000000e+00 : f32
    %broadcast_in_dim3A_49 = vector.broadcast %broadcast_in_dim3A_48 : f32 to vector<16xf32>
    %broadcast_in_dim3A_50 = arith.constant 0.000000e+00 : f32
    %broadcast_in_dim3A_51 = vector.broadcast %broadcast_in_dim3A_50 : f32 to vector<16xf32>
    %dma_wait3A_52 = arith.constant 0 : i32
    %dma_wait3A_53 = arith.constant 0 : i32
    %dma_wait3A_54 = tpu.memref_slice %arg8[%dma_wait3A_52, %dma_wait3A_53] : memref<2x4096xf32, #tpu.memory_space<vmem>> -> memref<1x4096xf32, #tpu.memory_space<vmem>>
    %dma_wait3A_55 = tpu.memref_squeeze %dma_wait3A_54 : memref<1x4096xf32, #tpu.memory_space<vmem>> -> memref<4096xf32, #tpu.memory_space<vmem>>
    %dma_wait3A_56 = arith.constant 0 : i32
    %dma_wait3A_57 = tpu.memref_slice %arg3[%add3A_9, %dma_wait3A_56] : memref<64x16384xf32, #tpu.memory_space<hbm>> -> memref<1x4096xf32, #tpu.memory_space<hbm>>
    %dma_wait3A_58 = tpu.memref_squeeze %dma_wait3A_57 : memref<1x4096xf32, #tpu.memory_space<hbm>> -> memref<4096xf32, #tpu.memory_space<hbm>>
    %dma_wait3A_59 = arith.constant 0 : i32
    %dma_wait3A_60 = tpu.memref_slice %arg8[%dma_wait3A_52, %dma_wait3A_59] : memref<2x4096xf32, #tpu.memory_space<vmem>> -> memref<1x4096xf32, #tpu.memory_space<vmem>>
    %dma_wait3A_61 = tpu.memref_squeeze %dma_wait3A_60 : memref<1x4096xf32, #tpu.memory_space<vmem>> -> memref<4096xf32, #tpu.memory_space<vmem>>
    %dma_wait3A_62 = arith.constant 0 : i32
    %dma_wait3A_63 = tpu.memref_slice %arg3[%add3A_9, %dma_wait3A_62] : memref<64x16384xf32, #tpu.memory_space<hbm>> -> memref<1x4096xf32, #tpu.memory_space<hbm>>
    %dma_wait3A_64 = tpu.memref_squeeze %dma_wait3A_63 : memref<1x4096xf32, #tpu.memory_space<hbm>> -> memref<4096xf32, #tpu.memory_space<hbm>>
    tpu.wait_dma2 semaphore(%arg12 : memref<!tpu.dma_semaphore, #tpu.memory_space<semaphore_mem>>) src(%dma_wait3A_64 : memref<4096xf32, #tpu.memory_space<hbm>>) dst(%dma_wait3A_61 : memref<4096xf32, #tpu.memory_space<vmem>>)
    %scan3A = arith.constant 0 : i32
    %scan3A_65 = arith.constant 64 : i32
    %scan3A_66 = arith.addi %scan3A, %scan3A_65 : i32
    %scan3A_67 = arith.constant 1 : i32
    %scan3A_68:4 = scf.for %scan3A_311 = %scan3A to %scan3A_66 step %scan3A_67 iter_args(%scan3A_312 = %broadcast_in_dim3A_45, %scan3A_313 = %broadcast_in_dim3A_47, %scan3A_314 = %broadcast_in_dim3A_49, %scan3A_315 = %broadcast_in_dim3A_51) -> (vector<16xf32>, vector<16xf32>, vector<16xf32>, vector<16xf32>)  : i32 {
      %mul3A_316 = arith.constant 64 : i32
      %mul3A_317 = arith.muli %scan3A_311, %mul3A_316 : i32
      %add3A_318 = arith.constant 0 : i32
      %add3A_319 = arith.addi %mul3A_317, %add3A_318 : i32
      %add3A_320 = arith.constant 0 : i32
      %add3A_321 = arith.addi %add3A_320, %add3A_319 : i32
      %get3A = arith.index_cast %add3A_321 : i32 to index
      %get3A_322 = tpu.vector_load %arg6[%get3A] {strides = array<i32>} : memref<16384xi32, #tpu.memory_space<vmem>>, vector<16xi32>,
      %gather3A = tpu.vector_load_idx %arg7[%get3A_322] : memref<100000xf32, #tpu.memory_space<vmem>>[vector<16xi32>], vector<16xf32>,
      %get3A_323 = arith.constant 0 : i32
      %get3A_324 = arith.index_cast %get3A_323 : i32 to index
      %get3A_325 = arith.index_cast %add3A_319 : i32 to index
      %get3A_326 = tpu.vector_load %arg8[%get3A_324, %get3A_325] {strides = array<i32>} : memref<2x4096xf32, #tpu.memory_space<vmem>>, vector<16xf32>,
      %sub3A = arith.subf %get3A_326, %gather3A : vector<16xf32>
      %mul3A_327 = arith.mulf %sub3A, %sub3A : vector<16xf32>
      %add3A_328 = arith.addf %scan3A_312, %mul3A_327 : vector<16xf32>
      %mul3A_329 = arith.constant 64 : i32
      %mul3A_330 = arith.muli %scan3A_311, %mul3A_329 : i32
      %add3A_331 = arith.constant 16 : i32
      %add3A_332 = arith.addi %mul3A_330, %add3A_331 : i32
      %add3A_333 = arith.constant 0 : i32
      %add3A_334 = arith.addi %add3A_333, %add3A_332 : i32
      %get3A_335 = arith.index_cast %add3A_334 : i32 to index
      %get3A_336 = tpu.vector_load %arg6[%get3A_335] {strides = array<i32>} : memref<16384xi32, #tpu.memory_space<vmem>>, vector<16xi32>,
      %gather3A_337 = tpu.vector_load_idx %arg7[%get3A_336] : memref<100000xf32, #tpu.memory_space<vmem>>[vector<16xi32>], vector<16xf32>,
      %get3A_338 = arith.constant 0 : i32
      %get3A_339 = arith.index_cast %get3A_338 : i32 to index
      %get3A_340 = arith.index_cast %add3A_332 : i32 to index
      %get3A_341 = tpu.vector_load %arg8[%get3A_339, %get3A_340] {strides = array<i32>} : memref<2x4096xf32, #tpu.memory_space<vmem>>, vector<16xf32>,
      %sub3A_342 = arith.subf %get3A_341, %gather3A_337 : vector<16xf32>
      %mul3A_343 = arith.mulf %sub3A_342, %sub3A_342 : vector<16xf32>
      %add3A_344 = arith.addf %scan3A_313, %mul3A_343 : vector<16xf32>
      %mul3A_345 = arith.constant 64 : i32
      %mul3A_346 = arith.muli %scan3A_311, %mul3A_345 : i32
      %add3A_347 = arith.constant 32 : i32
      %add3A_348 = arith.addi %mul3A_346, %add3A_347 : i32
      %add3A_349 = arith.constant 0 : i32
      %add3A_350 = arith.addi %add3A_349, %add3A_348 : i32
      %get3A_351 = arith.index_cast %add3A_350 : i32 to index
      %get3A_352 = tpu.vector_load %arg6[%get3A_351] {strides = array<i32>} : memref<16384xi32, #tpu.memory_space<vmem>>, vector<16xi32>,
      %gather3A_353 = tpu.vector_load_idx %arg7[%get3A_352] : memref<100000xf32, #tpu.memory_space<vmem>>[vector<16xi32>], vector<16xf32>,
      %get3A_354 = arith.constant 0 : i32
      %get3A_355 = arith.index_cast %get3A_354 : i32 to index
      %get3A_356 = arith.index_cast %add3A_348 : i32 to index
      %get3A_357 = tpu.vector_load %arg8[%get3A_355, %get3A_356] {strides = array<i32>} : memref<2x4096xf32, #tpu.memory_space<vmem>>, vector<16xf32>,
      %sub3A_358 = arith.subf %get3A_357, %gather3A_353 : vector<16xf32>
      %mul3A_359 = arith.mulf %sub3A_358, %sub3A_358 : vector<16xf32>
      %add3A_360 = arith.addf %scan3A_314, %mul3A_359 : vector<16xf32>
      %mul3A_361 = arith.constant 64 : i32
      %mul3A_362 = arith.muli %scan3A_311, %mul3A_361 : i32
      %add3A_363 = arith.constant 48 : i32
      %add3A_364 = arith.addi %mul3A_362, %add3A_363 : i32
      %add3A_365 = arith.constant 0 : i32
      %add3A_366 = arith.addi %add3A_365, %add3A_364 : i32
      %get3A_367 = arith.index_cast %add3A_366 : i32 to index
      %get3A_368 = tpu.vector_load %arg6[%get3A_367] {strides = array<i32>} : memref<16384xi32, #tpu.memory_space<vmem>>, vector<16xi32>,
      %gather3A_369 = tpu.vector_load_idx %arg7[%get3A_368] : memref<100000xf32, #tpu.memory_space<vmem>>[vector<16xi32>], vector<16xf32>,
      %get3A_370 = arith.constant 0 : i32
      %get3A_371 = arith.index_cast %get3A_370 : i32 to index
      %get3A_372 = arith.index_cast %add3A_364 : i32 to index
      %get3A_373 = tpu.vector_load %arg8[%get3A_371, %get3A_372] {strides = array<i32>} : memref<2x4096xf32, #tpu.memory_space<vmem>>, vector<16xf32>,
      %sub3A_374 = arith.subf %get3A_373, %gather3A_369 : vector<16xf32>
      %mul3A_375 = arith.mulf %sub3A_374, %sub3A_374 : vector<16xf32>
      %add3A_376 = arith.addf %scan3A_315, %mul3A_375 : vector<16xf32>
      scf.yield %add3A_328, %add3A_344, %add3A_360, %add3A_376 : vector<16xf32>, vector<16xf32>, vector<16xf32>, vector<16xf32>
    }
    %scan3A_69 = arith.constant 64 : i32
    %add3A_70 = arith.constant 0 : i32
    %add3A_71 = arith.addi %mul3A_2, %add3A_70 : i32
    %dma_start3A_72 = arith.constant 0 : i32
    %dma_start3A_73 = arith.constant 0 : i32
    %dma_start3A_74 = tpu.memref_slice %arg8[%dma_start3A_72, %dma_start3A_73] : memref<2x4096xf32, #tpu.memory_space<vmem>> -> memref<1x4096xf32, #tpu.memory_space<vmem>>
    %dma_start3A_75 = tpu.memref_squeeze %dma_start3A_74 : memref<1x4096xf32, #tpu.memory_space<vmem>> -> memref<4096xf32, #tpu.memory_space<vmem>>
    %dma_start3A_76 = arith.constant 8192 : i32
    %dma_start3A_77 = tpu.memref_slice %arg3[%add3A_71, %dma_start3A_76] : memref<64x16384xf32, #tpu.memory_space<hbm>> -> memref<1x4096xf32, #tpu.memory_space<hbm>>
    %dma_start3A_78 = tpu.memref_squeeze %dma_start3A_77 : memref<1x4096xf32, #tpu.memory_space<hbm>> -> memref<4096xf32, #tpu.memory_space<hbm>>
    %dma_start3A_79 = arith.constant 0 : i32
    %dma_start3A_80 = tpu.memref_slice %arg8[%dma_start3A_72, %dma_start3A_79] : memref<2x4096xf32, #tpu.memory_space<vmem>> -> memref<1x4096xf32, #tpu.memory_space<vmem>>
    %dma_start3A_81 = tpu.memref_squeeze %dma_start3A_80 : memref<1x4096xf32, #tpu.memory_space<vmem>> -> memref<4096xf32, #tpu.memory_space<vmem>>
    %dma_start3A_82 = arith.constant 8192 : i32
    %dma_start3A_83 = tpu.memref_slice %arg3[%add3A_71, %dma_start3A_82] : memref<64x16384xf32, #tpu.memory_space<hbm>> -> memref<1x4096xf32, #tpu.memory_space<hbm>>
    %dma_start3A_84 = tpu.memref_squeeze %dma_start3A_83 : memref<1x4096xf32, #tpu.memory_space<hbm>> -> memref<4096xf32, #tpu.memory_space<hbm>>
    tpu.enqueue_dma source(%dma_start3A_84 : memref<4096xf32, #tpu.memory_space<hbm>>) target(%dma_start3A_81 : memref<4096xf32, #tpu.memory_space<vmem>>) target_semaphore(%arg12 : memref<!tpu.dma_semaphore, #tpu.memory_space<semaphore_mem>>)
    %dma_wait3A_85 = arith.constant 1 : i32
    %dma_wait3A_86 = arith.constant 0 : i32
    %dma_wait3A_87 = tpu.memref_slice %arg8[%dma_wait3A_85, %dma_wait3A_86] : memref<2x4096xf32, #tpu.memory_space<vmem>> -> memref<1x4096xf32, #tpu.memory_space<vmem>>
    %dma_wait3A_88 = tpu.memref_squeeze %dma_wait3A_87 : memref<1x4096xf32, #tpu.memory_space<vmem>> -> memref<4096xf32, #tpu.memory_space<vmem>>
    %dma_wait3A_89 = arith.constant 4096 : i32
    %dma_wait3A_90 = tpu.memref_slice %arg3[%add3A_24, %dma_wait3A_89] : memref<64x16384xf32, #tpu.memory_space<hbm>> -> memref<1x4096xf32, #tpu.memory_space<hbm>>
    %dma_wait3A_91 = tpu.memref_squeeze %dma_wait3A_90 : memref<1x4096xf32, #tpu.memory_space<hbm>> -> memref<4096xf32, #tpu.memory_space<hbm>>
    %dma_wait3A_92 = arith.constant 0 : i32
    %dma_wait3A_93 = tpu.memref_slice %arg8[%dma_wait3A_85, %dma_wait3A_92] : memref<2x4096xf32, #tpu.memory_space<vmem>> -> memref<1x4096xf32, #tpu.memory_space<vmem>>
    %dma_wait3A_94 = tpu.memref_squeeze %dma_wait3A_93 : memref<1x4096xf32, #tpu.memory_space<vmem>> -> memref<4096xf32, #tpu.memory_space<vmem>>
    %dma_wait3A_95 = arith.constant 4096 : i32
    %dma_wait3A_96 = tpu.memref_slice %arg3[%add3A_24, %dma_wait3A_95] : memref<64x16384xf32, #tpu.memory_space<hbm>> -> memref<1x4096xf32, #tpu.memory_space<hbm>>
    %dma_wait3A_97 = tpu.memref_squeeze %dma_wait3A_96 : memref<1x4096xf32, #tpu.memory_space<hbm>> -> memref<4096xf32, #tpu.memory_space<hbm>>
    tpu.wait_dma2 semaphore(%arg12 : memref<!tpu.dma_semaphore, #tpu.memory_space<semaphore_mem>>) src(%dma_wait3A_97 : memref<4096xf32, #tpu.memory_space<hbm>>) dst(%dma_wait3A_94 : memref<4096xf32, #tpu.memory_space<vmem>>)
    %scan3A_98 = arith.constant 0 : i32
    %scan3A_99 = arith.constant 64 : i32
    %scan3A_100 = arith.addi %scan3A_98, %scan3A_99 : i32
    %scan3A_101 = arith.constant 1 : i32
    %scan3A_102:4 = scf.for %scan3A_311 = %scan3A_98 to %scan3A_100 step %scan3A_101 iter_args(%scan3A_312 = %scan3A_68#0, %scan3A_313 = %scan3A_68#1, %scan3A_314 = %scan3A_68#2, %scan3A_315 = %scan3A_68#3) -> (vector<16xf32>, vector<16xf32>, vector<16xf32>, vector<16xf32>)  : i32 {
      %mul3A_316 = arith.constant 64 : i32
      %mul3A_317 = arith.muli %scan3A_311, %mul3A_316 : i32
      %add3A_318 = arith.constant 0 : i32
      %add3A_319 = arith.addi %mul3A_317, %add3A_318 : i32
      %add3A_320 = arith.constant 4096 : i32
      %add3A_321 = arith.addi %add3A_320, %add3A_319 : i32
      %get3A = arith.index_cast %add3A_321 : i32 to index
      %get3A_322 = tpu.vector_load %arg6[%get3A] {strides = array<i32>} : memref<16384xi32, #tpu.memory_space<vmem>>, vector<16xi32>,
      %gather3A = tpu.vector_load_idx %arg7[%get3A_322] : memref<100000xf32, #tpu.memory_space<vmem>>[vector<16xi32>], vector<16xf32>,
      %get3A_323 = arith.constant 1 : i32
      %get3A_324 = arith.index_cast %get3A_323 : i32 to index
      %get3A_325 = arith.index_cast %add3A_319 : i32 to index
      %get3A_326 = tpu.vector_load %arg8[%get3A_324, %get3A_325] {strides = array<i32>} : memref<2x4096xf32, #tpu.memory_space<vmem>>, vector<16xf32>,
      %sub3A = arith.subf %get3A_326, %gather3A : vector<16xf32>
      %mul3A_327 = arith.mulf %sub3A, %sub3A : vector<16xf32>
      %add3A_328 = arith.addf %scan3A_312, %mul3A_327 : vector<16xf32>
      %mul3A_329 = arith.constant 64 : i32
      %mul3A_330 = arith.muli %scan3A_311, %mul3A_329 : i32
      %add3A_331 = arith.constant 16 : i32
      %add3A_332 = arith.addi %mul3A_330, %add3A_331 : i32
      %add3A_333 = arith.constant 4096 : i32
      %add3A_334 = arith.addi %add3A_333, %add3A_332 : i32
      %get3A_335 = arith.index_cast %add3A_334 : i32 to index
      %get3A_336 = tpu.vector_load %arg6[%get3A_335] {strides = array<i32>} : memref<16384xi32, #tpu.memory_space<vmem>>, vector<16xi32>,
      %gather3A_337 = tpu.vector_load_idx %arg7[%get3A_336] : memref<100000xf32, #tpu.memory_space<vmem>>[vector<16xi32>], vector<16xf32>,
      %get3A_338 = arith.constant 1 : i32
      %get3A_339 = arith.index_cast %get3A_338 : i32 to index
      %get3A_340 = arith.index_cast %add3A_332 : i32 to index
      %get3A_341 = tpu.vector_load %arg8[%get3A_339, %get3A_340] {strides = array<i32>} : memref<2x4096xf32, #tpu.memory_space<vmem>>, vector<16xf32>,
      %sub3A_342 = arith.subf %get3A_341, %gather3A_337 : vector<16xf32>
      %mul3A_343 = arith.mulf %sub3A_342, %sub3A_342 : vector<16xf32>
      %add3A_344 = arith.addf %scan3A_313, %mul3A_343 : vector<16xf32>
      %mul3A_345 = arith.constant 64 : i32
      %mul3A_346 = arith.muli %scan3A_311, %mul3A_345 : i32
      %add3A_347 = arith.constant 32 : i32
      %add3A_348 = arith.addi %mul3A_346, %add3A_347 : i32
      %add3A_349 = arith.constant 4096 : i32
      %add3A_350 = arith.addi %add3A_349, %add3A_348 : i32
      %get3A_351 = arith.index_cast %add3A_350 : i32 to index
      %get3A_352 = tpu.vector_load %arg6[%get3A_351] {strides = array<i32>} : memref<16384xi32, #tpu.memory_space<vmem>>, vector<16xi32>,
      %gather3A_353 = tpu.vector_load_idx %arg7[%get3A_352] : memref<100000xf32, #tpu.memory_space<vmem>>[vector<16xi32>], vector<16xf32>,
      %get3A_354 = arith.constant 1 : i32
      %get3A_355 = arith.index_cast %get3A_354 : i32 to index
      %get3A_356 = arith.index_cast %add3A_348 : i32 to index
      %get3A_357 = tpu.vector_load %arg8[%get3A_355, %get3A_356] {strides = array<i32>} : memref<2x4096xf32, #tpu.memory_space<vmem>>, vector<16xf32>,
      %sub3A_358 = arith.subf %get3A_357, %gather3A_353 : vector<16xf32>
      %mul3A_359 = arith.mulf %sub3A_358, %sub3A_358 : vector<16xf32>
      %add3A_360 = arith.addf %scan3A_314, %mul3A_359 : vector<16xf32>
      %mul3A_361 = arith.constant 64 : i32
      %mul3A_362 = arith.muli %scan3A_311, %mul3A_361 : i32
      %add3A_363 = arith.constant 48 : i32
      %add3A_364 = arith.addi %mul3A_362, %add3A_363 : i32
      %add3A_365 = arith.constant 4096 : i32
      %add3A_366 = arith.addi %add3A_365, %add3A_364 : i32
      %get3A_367 = arith.index_cast %add3A_366 : i32 to index
      %get3A_368 = tpu.vector_load %arg6[%get3A_367] {strides = array<i32>} : memref<16384xi32, #tpu.memory_space<vmem>>, vector<16xi32>,
      %gather3A_369 = tpu.vector_load_idx %arg7[%get3A_368] : memref<100000xf32, #tpu.memory_space<vmem>>[vector<16xi32>], vector<16xf32>,
      %get3A_370 = arith.constant 1 : i32
      %get3A_371 = arith.index_cast %get3A_370 : i32 to index
      %get3A_372 = arith.index_cast %add3A_364 : i32 to index
      %get3A_373 = tpu.vector_load %arg8[%get3A_371, %get3A_372] {strides = array<i32>} : memref<2x4096xf32, #tpu.memory_space<vmem>>, vector<16xf32>,
      %sub3A_374 = arith.subf %get3A_373, %gather3A_369 : vector<16xf32>
      %mul3A_375 = arith.mulf %sub3A_374, %sub3A_374 : vector<16xf32>
      %add3A_376 = arith.addf %scan3A_315, %mul3A_375 : vector<16xf32>
      scf.yield %add3A_328, %add3A_344, %add3A_360, %add3A_376 : vector<16xf32>, vector<16xf32>, vector<16xf32>, vector<16xf32>
    }
    %scan3A_103 = arith.constant 64 : i32
    %add3A_104 = arith.constant 0 : i32
    %add3A_105 = arith.addi %mul3A_2, %add3A_104 : i32
    %dma_start3A_106 = arith.constant 1 : i32
    %dma_start3A_107 = arith.constant 0 : i32
    %dma_start3A_108 = tpu.memref_slice %arg8[%dma_start3A_106, %dma_start3A_107] : memref<2x4096xf32, #tpu.memory_space<vmem>> -> memref<1x4096xf32, #tpu.memory_space<vmem>>
    %dma_start3A_109 = tpu.memref_squeeze %dma_start3A_108 : memref<1x4096xf32, #tpu.memory_space<vmem>> -> memref<4096xf32, #tpu.memory_space<vmem>>
    %dma_start3A_110 = arith.constant 12288 : i32
    %dma_start3A_111 = tpu.memref_slice %arg3[%add3A_105, %dma_start3A_110] : memref<64x16384xf32, #tpu.memory_space<hbm>> -> memref<1x4096xf32, #tpu.memory_space<hbm>>
    %dma_start3A_112 = tpu.memref_squeeze %dma_start3A_111 : memref<1x4096xf32, #tpu.memory_space<hbm>> -> memref<4096xf32, #tpu.memory_space<hbm>>
    %dma_start3A_113 = arith.constant 0 : i32
    %dma_start3A_114 = tpu.memref_slice %arg8[%dma_start3A_106, %dma_start3A_113] : memref<2x4096xf32, #tpu.memory_space<vmem>> -> memref<1x4096xf32, #tpu.memory_space<vmem>>
    %dma_start3A_115 = tpu.memref_squeeze %dma_start3A_114 : memref<1x4096xf32, #tpu.memory_space<vmem>> -> memref<4096xf32, #tpu.memory_space<vmem>>
    %dma_start3A_116 = arith.constant 12288 : i32
    %dma_start3A_117 = tpu.memref_slice %arg3[%add3A_105, %dma_start3A_116] : memref<64x16384xf32, #tpu.memory_space<hbm>> -> memref<1x4096xf32, #tpu.memory_space<hbm>>
    %dma_start3A_118 = tpu.memref_squeeze %dma_start3A_117 : memref<1x4096xf32, #tpu.memory_space<hbm>> -> memref<4096xf32, #tpu.memory_space<hbm>>
    tpu.enqueue_dma source(%dma_start3A_118 : memref<4096xf32, #tpu.memory_space<hbm>>) target(%dma_start3A_115 : memref<4096xf32, #tpu.memory_space<vmem>>) target_semaphore(%arg12 : memref<!tpu.dma_semaphore, #tpu.memory_space<semaphore_mem>>)
    %dma_wait3A_119 = arith.constant 0 : i32
    %dma_wait3A_120 = arith.constant 0 : i32
    %dma_wait3A_121 = tpu.memref_slice %arg8[%dma_wait3A_119, %dma_wait3A_120] : memref<2x4096xf32, #tpu.memory_space<vmem>> -> memref<1x4096xf32, #tpu.memory_space<vmem>>
    %dma_wait3A_122 = tpu.memref_squeeze %dma_wait3A_121 : memref<1x4096xf32, #tpu.memory_space<vmem>> -> memref<4096xf32, #tpu.memory_space<vmem>>
    %dma_wait3A_123 = arith.constant 8192 : i32
    %dma_wait3A_124 = tpu.memref_slice %arg3[%add3A_71, %dma_wait3A_123] : memref<64x16384xf32, #tpu.memory_space<hbm>> -> memref<1x4096xf32, #tpu.memory_space<hbm>>
    %dma_wait3A_125 = tpu.memref_squeeze %dma_wait3A_124 : memref<1x4096xf32, #tpu.memory_space<hbm>> -> memref<4096xf32, #tpu.memory_space<hbm>>
    %dma_wait3A_126 = arith.constant 0 : i32
    %dma_wait3A_127 = tpu.memref_slice %arg8[%dma_wait3A_119, %dma_wait3A_126] : memref<2x4096xf32, #tpu.memory_space<vmem>> -> memref<1x4096xf32, #tpu.memory_space<vmem>>
    %dma_wait3A_128 = tpu.memref_squeeze %dma_wait3A_127 : memref<1x4096xf32, #tpu.memory_space<vmem>> -> memref<4096xf32, #tpu.memory_space<vmem>>
    %dma_wait3A_129 = arith.constant 8192 : i32
    %dma_wait3A_130 = tpu.memref_slice %arg3[%add3A_71, %dma_wait3A_129] : memref<64x16384xf32, #tpu.memory_space<hbm>> -> memref<1x4096xf32, #tpu.memory_space<hbm>>
    %dma_wait3A_131 = tpu.memref_squeeze %dma_wait3A_130 : memref<1x4096xf32, #tpu.memory_space<hbm>> -> memref<4096xf32, #tpu.memory_space<hbm>>
    tpu.wait_dma2 semaphore(%arg12 : memref<!tpu.dma_semaphore, #tpu.memory_space<semaphore_mem>>) src(%dma_wait3A_131 : memref<4096xf32, #tpu.memory_space<hbm>>) dst(%dma_wait3A_128 : memref<4096xf32, #tpu.memory_space<vmem>>)
    %scan3A_132 = arith.constant 0 : i32
    %scan3A_133 = arith.constant 64 : i32
    %scan3A_134 = arith.addi %scan3A_132, %scan3A_133 : i32
    %scan3A_135 = arith.constant 1 : i32
    %scan3A_136:4 = scf.for %scan3A_311 = %scan3A_132 to %scan3A_134 step %scan3A_135 iter_args(%scan3A_312 = %scan3A_102#0, %scan3A_313 = %scan3A_102#1, %scan3A_314 = %scan3A_102#2, %scan3A_315 = %scan3A_102#3) -> (vector<16xf32>, vector<16xf32>, vector<16xf32>, vector<16xf32>)  : i32 {
      %mul3A_316 = arith.constant 64 : i32
      %mul3A_317 = arith.muli %scan3A_311, %mul3A_316 : i32
      %add3A_318 = arith.constant 0 : i32
      %add3A_319 = arith.addi %mul3A_317, %add3A_318 : i32
      %add3A_320 = arith.constant 8192 : i32
      %add3A_321 = arith.addi %add3A_320, %add3A_319 : i32
      %get3A = arith.index_cast %add3A_321 : i32 to index
      %get3A_322 = tpu.vector_load %arg6[%get3A] {strides = array<i32>} : memref<16384xi32, #tpu.memory_space<vmem>>, vector<16xi32>,
      %gather3A = tpu.vector_load_idx %arg7[%get3A_322] : memref<100000xf32, #tpu.memory_space<vmem>>[vector<16xi32>], vector<16xf32>,
      %get3A_323 = arith.constant 0 : i32
      %get3A_324 = arith.index_cast %get3A_323 : i32 to index
      %get3A_325 = arith.index_cast %add3A_319 : i32 to index
      %get3A_326 = tpu.vector_load %arg8[%get3A_324, %get3A_325] {strides = array<i32>} : memref<2x4096xf32, #tpu.memory_space<vmem>>, vector<16xf32>,
      %sub3A = arith.subf %get3A_326, %gather3A : vector<16xf32>
      %mul3A_327 = arith.mulf %sub3A, %sub3A : vector<16xf32>
      %add3A_328 = arith.addf %scan3A_312, %mul3A_327 : vector<16xf32>
      %mul3A_329 = arith.constant 64 : i32
      %mul3A_330 = arith.muli %scan3A_311, %mul3A_329 : i32
      %add3A_331 = arith.constant 16 : i32
      %add3A_332 = arith.addi %mul3A_330, %add3A_331 : i32
      %add3A_333 = arith.constant 8192 : i32
      %add3A_334 = arith.addi %add3A_333, %add3A_332 : i32
      %get3A_335 = arith.index_cast %add3A_334 : i32 to index
      %get3A_336 = tpu.vector_load %arg6[%get3A_335] {strides = array<i32>} : memref<16384xi32, #tpu.memory_space<vmem>>, vector<16xi32>,
      %gather3A_337 = tpu.vector_load_idx %arg7[%get3A_336] : memref<100000xf32, #tpu.memory_space<vmem>>[vector<16xi32>], vector<16xf32>,
      %get3A_338 = arith.constant 0 : i32
      %get3A_339 = arith.index_cast %get3A_338 : i32 to index
      %get3A_340 = arith.index_cast %add3A_332 : i32 to index
      %get3A_341 = tpu.vector_load %arg8[%get3A_339, %get3A_340] {strides = array<i32>} : memref<2x4096xf32, #tpu.memory_space<vmem>>, vector<16xf32>,
      %sub3A_342 = arith.subf %get3A_341, %gather3A_337 : vector<16xf32>
      %mul3A_343 = arith.mulf %sub3A_342, %sub3A_342 : vector<16xf32>
      %add3A_344 = arith.addf %scan3A_313, %mul3A_343 : vector<16xf32>
      %mul3A_345 = arith.constant 64 : i32
      %mul3A_346 = arith.muli %scan3A_311, %mul3A_345 : i32
      %add3A_347 = arith.constant 32 : i32
      %add3A_348 = arith.addi %mul3A_346, %add3A_347 : i32
      %add3A_349 = arith.constant 8192 : i32
      %add3A_350 = arith.addi %add3A_349, %add3A_348 : i32
      %get3A_351 = arith.index_cast %add3A_350 : i32 to index
      %get3A_352 = tpu.vector_load %arg6[%get3A_351] {strides = array<i32>} : memref<16384xi32, #tpu.memory_space<vmem>>, vector<16xi32>,
      %gather3A_353 = tpu.vector_load_idx %arg7[%get3A_352] : memref<100000xf32, #tpu.memory_space<vmem>>[vector<16xi32>], vector<16xf32>,
      %get3A_354 = arith.constant 0 : i32
      %get3A_355 = arith.index_cast %get3A_354 : i32 to index
      %get3A_356 = arith.index_cast %add3A_348 : i32 to index
      %get3A_357 = tpu.vector_load %arg8[%get3A_355, %get3A_356] {strides = array<i32>} : memref<2x4096xf32, #tpu.memory_space<vmem>>, vector<16xf32>,
      %sub3A_358 = arith.subf %get3A_357, %gather3A_353 : vector<16xf32>
      %mul3A_359 = arith.mulf %sub3A_358, %sub3A_358 : vector<16xf32>
      %add3A_360 = arith.addf %scan3A_314, %mul3A_359 : vector<16xf32>
      %mul3A_361 = arith.constant 64 : i32
      %mul3A_362 = arith.muli %scan3A_311, %mul3A_361 : i32
      %add3A_363 = arith.constant 48 : i32
      %add3A_364 = arith.addi %mul3A_362, %add3A_363 : i32
      %add3A_365 = arith.constant 8192 : i32
      %add3A_366 = arith.addi %add3A_365, %add3A_364 : i32
      %get3A_367 = arith.index_cast %add3A_366 : i32 to index
      %get3A_368 = tpu.vector_load %arg6[%get3A_367] {strides = array<i32>} : memref<16384xi32, #tpu.memory_space<vmem>>, vector<16xi32>,
      %gather3A_369 = tpu.vector_load_idx %arg7[%get3A_368] : memref<100000xf32, #tpu.memory_space<vmem>>[vector<16xi32>], vector<16xf32>,
      %get3A_370 = arith.constant 0 : i32
      %get3A_371 = arith.index_cast %get3A_370 : i32 to index
      %get3A_372 = arith.index_cast %add3A_364 : i32 to index
      %get3A_373 = tpu.vector_load %arg8[%get3A_371, %get3A_372] {strides = array<i32>} : memref<2x4096xf32, #tpu.memory_space<vmem>>, vector<16xf32>,
      %sub3A_374 = arith.subf %get3A_373, %gather3A_369 : vector<16xf32>
      %mul3A_375 = arith.mulf %sub3A_374, %sub3A_374 : vector<16xf32>
      %add3A_376 = arith.addf %scan3A_315, %mul3A_375 : vector<16xf32>
      scf.yield %add3A_328, %add3A_344, %add3A_360, %add3A_376 : vector<16xf32>, vector<16xf32>, vector<16xf32>, vector<16xf32>
    }
    %scan3A_137 = arith.constant 64 : i32
    %add3A_138 = arith.constant 1 : i32
    %add3A_139 = arith.addi %mul3A_2, %add3A_138 : i32
    %dma_start3A_140 = arith.constant 0 : i32
    %dma_start3A_141 = arith.constant 0 : i32
    %dma_start3A_142 = tpu.memref_slice %arg8[%dma_start3A_140, %dma_start3A_141] : memref<2x4096xf32, #tpu.memory_space<vmem>> -> memref<1x4096xf32, #tpu.memory_space<vmem>>
    %dma_start3A_143 = tpu.memref_squeeze %dma_start3A_142 : memref<1x4096xf32, #tpu.memory_space<vmem>> -> memref<4096xf32, #tpu.memory_space<vmem>>
    %dma_start3A_144 = arith.constant 0 : i32
    %dma_start3A_145 = tpu.memref_slice %arg3[%add3A_139, %dma_start3A_144] : memref<64x16384xf32, #tpu.memory_space<hbm>> -> memref<1x4096xf32, #tpu.memory_space<hbm>>
    %dma_start3A_146 = tpu.memref_squeeze %dma_start3A_145 : memref<1x4096xf32, #tpu.memory_space<hbm>> -> memref<4096xf32, #tpu.memory_space<hbm>>
    %dma_start3A_147 = arith.constant 0 : i32
    %dma_start3A_148 = tpu.memref_slice %arg8[%dma_start3A_140, %dma_start3A_147] : memref<2x4096xf32, #tpu.memory_space<vmem>> -> memref<1x4096xf32, #tpu.memory_space<vmem>>
    %dma_start3A_149 = tpu.memref_squeeze %dma_start3A_148 : memref<1x4096xf32, #tpu.memory_space<vmem>> -> memref<4096xf32, #tpu.memory_space<vmem>>
    %dma_start3A_150 = arith.constant 0 : i32
    %dma_start3A_151 = tpu.memref_slice %arg3[%add3A_139, %dma_start3A_150] : memref<64x16384xf32, #tpu.memory_space<hbm>> -> memref<1x4096xf32, #tpu.memory_space<hbm>>
    %dma_start3A_152 = tpu.memref_squeeze %dma_start3A_151 : memref<1x4096xf32, #tpu.memory_space<hbm>> -> memref<4096xf32, #tpu.memory_space<hbm>>
    tpu.enqueue_dma source(%dma_start3A_152 : memref<4096xf32, #tpu.memory_space<hbm>>) target(%dma_start3A_149 : memref<4096xf32, #tpu.memory_space<vmem>>) target_semaphore(%arg12 : memref<!tpu.dma_semaphore, #tpu.memory_space<semaphore_mem>>)
    %dma_wait3A_153 = arith.constant 1 : i32
    %dma_wait3A_154 = arith.constant 0 : i32
    %dma_wait3A_155 = tpu.memref_slice %arg8[%dma_wait3A_153, %dma_wait3A_154] : memref<2x4096xf32, #tpu.memory_space<vmem>> -> memref<1x4096xf32, #tpu.memory_space<vmem>>
    %dma_wait3A_156 = tpu.memref_squeeze %dma_wait3A_155 : memref<1x4096xf32, #tpu.memory_space<vmem>> -> memref<4096xf32, #tpu.memory_space<vmem>>
    %dma_wait3A_157 = arith.constant 12288 : i32
    %dma_wait3A_158 = tpu.memref_slice %arg3[%add3A_105, %dma_wait3A_157] : memref<64x16384xf32, #tpu.memory_space<hbm>> -> memref<1x4096xf32, #tpu.memory_space<hbm>>
    %dma_wait3A_159 = tpu.memref_squeeze %dma_wait3A_158 : memref<1x4096xf32, #tpu.memory_space<hbm>> -> memref<4096xf32, #tpu.memory_space<hbm>>
    %dma_wait3A_160 = arith.constant 0 : i32
    %dma_wait3A_161 = tpu.memref_slice %arg8[%dma_wait3A_153, %dma_wait3A_160] : memref<2x4096xf32, #tpu.memory_space<vmem>> -> memref<1x4096xf32, #tpu.memory_space<vmem>>
    %dma_wait3A_162 = tpu.memref_squeeze %dma_wait3A_161 : memref<1x4096xf32, #tpu.memory_space<vmem>> -> memref<4096xf32, #tpu.memory_space<vmem>>
    %dma_wait3A_163 = arith.constant 12288 : i32
    %dma_wait3A_164 = tpu.memref_slice %arg3[%add3A_105, %dma_wait3A_163] : memref<64x16384xf32, #tpu.memory_space<hbm>> -> memref<1x4096xf32, #tpu.memory_space<hbm>>
    %dma_wait3A_165 = tpu.memref_squeeze %dma_wait3A_164 : memref<1x4096xf32, #tpu.memory_space<hbm>> -> memref<4096xf32, #tpu.memory_space<hbm>>
    tpu.wait_dma2 semaphore(%arg12 : memref<!tpu.dma_semaphore, #tpu.memory_space<semaphore_mem>>) src(%dma_wait3A_165 : memref<4096xf32, #tpu.memory_space<hbm>>) dst(%dma_wait3A_162 : memref<4096xf32, #tpu.memory_space<vmem>>)
    %scan3A_166 = arith.constant 0 : i32
    %scan3A_167 = arith.constant 64 : i32
    %scan3A_168 = arith.addi %scan3A_166, %scan3A_167 : i32
    %scan3A_169 = arith.constant 1 : i32
    %scan3A_170:4 = scf.for %scan3A_311 = %scan3A_166 to %scan3A_168 step %scan3A_169 iter_args(%scan3A_312 = %scan3A_136#0, %scan3A_313 = %scan3A_136#1, %scan3A_314 = %scan3A_136#2, %scan3A_315 = %scan3A_136#3) -> (vector<16xf32>, vector<16xf32>, vector<16xf32>, vector<16xf32>)  : i32 {
      %mul3A_316 = arith.constant 64 : i32
      %mul3A_317 = arith.muli %scan3A_311, %mul3A_316 : i32
      %add3A_318 = arith.constant 0 : i32
      %add3A_319 = arith.addi %mul3A_317, %add3A_318 : i32
      %add3A_320 = arith.constant 12288 : i32
      %add3A_321 = arith.addi %add3A_320, %add3A_319 : i32
      %get3A = arith.index_cast %add3A_321 : i32 to index
      %get3A_322 = tpu.vector_load %arg6[%get3A] {strides = array<i32>} : memref<16384xi32, #tpu.memory_space<vmem>>, vector<16xi32>,
      %gather3A = tpu.vector_load_idx %arg7[%get3A_322] : memref<100000xf32, #tpu.memory_space<vmem>>[vector<16xi32>], vector<16xf32>,
      %get3A_323 = arith.constant 1 : i32
      %get3A_324 = arith.index_cast %get3A_323 : i32 to index
      %get3A_325 = arith.index_cast %add3A_319 : i32 to index
      %get3A_326 = tpu.vector_load %arg8[%get3A_324, %get3A_325] {strides = array<i32>} : memref<2x4096xf32, #tpu.memory_space<vmem>>, vector<16xf32>,
      %sub3A = arith.subf %get3A_326, %gather3A : vector<16xf32>
      %mul3A_327 = arith.mulf %sub3A, %sub3A : vector<16xf32>
      %add3A_328 = arith.addf %scan3A_312, %mul3A_327 : vector<16xf32>
      %mul3A_329 = arith.constant 64 : i32
      %mul3A_330 = arith.muli %scan3A_311, %mul3A_329 : i32
      %add3A_331 = arith.constant 16 : i32
      %add3A_332 = arith.addi %mul3A_330, %add3A_331 : i32
      %add3A_333 = arith.constant 12288 : i32
      %add3A_334 = arith.addi %add3A_333, %add3A_332 : i32
      %get3A_335 = arith.index_cast %add3A_334 : i32 to index
      %get3A_336 = tpu.vector_load %arg6[%get3A_335] {strides = array<i32>} : memref<16384xi32, #tpu.memory_space<vmem>>, vector<16xi32>,
      %gather3A_337 = tpu.vector_load_idx %arg7[%get3A_336] : memref<100000xf32, #tpu.memory_space<vmem>>[vector<16xi32>], vector<16xf32>,
      %get3A_338 = arith.constant 1 : i32
      %get3A_339 = arith.index_cast %get3A_338 : i32 to index
      %get3A_340 = arith.index_cast %add3A_332 : i32 to index
      %get3A_341 = tpu.vector_load %arg8[%get3A_339, %get3A_340] {strides = array<i32>} : memref<2x4096xf32, #tpu.memory_space<vmem>>, vector<16xf32>,
      %sub3A_342 = arith.subf %get3A_341, %gather3A_337 : vector<16xf32>
      %mul3A_343 = arith.mulf %sub3A_342, %sub3A_342 : vector<16xf32>
      %add3A_344 = arith.addf %scan3A_313, %mul3A_343 : vector<16xf32>
      %mul3A_345 = arith.constant 64 : i32
      %mul3A_346 = arith.muli %scan3A_311, %mul3A_345 : i32
      %add3A_347 = arith.constant 32 : i32
      %add3A_348 = arith.addi %mul3A_346, %add3A_347 : i32
      %add3A_349 = arith.constant 12288 : i32
      %add3A_350 = arith.addi %add3A_349, %add3A_348 : i32
      %get3A_351 = arith.index_cast %add3A_350 : i32 to index
      %get3A_352 = tpu.vector_load %arg6[%get3A_351] {strides = array<i32>} : memref<16384xi32, #tpu.memory_space<vmem>>, vector<16xi32>,
      %gather3A_353 = tpu.vector_load_idx %arg7[%get3A_352] : memref<100000xf32, #tpu.memory_space<vmem>>[vector<16xi32>], vector<16xf32>,
      %get3A_354 = arith.constant 1 : i32
      %get3A_355 = arith.index_cast %get3A_354 : i32 to index
      %get3A_356 = arith.index_cast %add3A_348 : i32 to index
      %get3A_357 = tpu.vector_load %arg8[%get3A_355, %get3A_356] {strides = array<i32>} : memref<2x4096xf32, #tpu.memory_space<vmem>>, vector<16xf32>,
      %sub3A_358 = arith.subf %get3A_357, %gather3A_353 : vector<16xf32>
      %mul3A_359 = arith.mulf %sub3A_358, %sub3A_358 : vector<16xf32>
      %add3A_360 = arith.addf %scan3A_314, %mul3A_359 : vector<16xf32>
      %mul3A_361 = arith.constant 64 : i32
      %mul3A_362 = arith.muli %scan3A_311, %mul3A_361 : i32
      %add3A_363 = arith.constant 48 : i32
      %add3A_364 = arith.addi %mul3A_362, %add3A_363 : i32
      %add3A_365 = arith.constant 12288 : i32
      %add3A_366 = arith.addi %add3A_365, %add3A_364 : i32
      %get3A_367 = arith.index_cast %add3A_366 : i32 to index
      %get3A_368 = tpu.vector_load %arg6[%get3A_367] {strides = array<i32>} : memref<16384xi32, #tpu.memory_space<vmem>>, vector<16xi32>,
      %gather3A_369 = tpu.vector_load_idx %arg7[%get3A_368] : memref<100000xf32, #tpu.memory_space<vmem>>[vector<16xi32>], vector<16xf32>,
      %get3A_370 = arith.constant 1 : i32
      %get3A_371 = arith.index_cast %get3A_370 : i32 to index
      %get3A_372 = arith.index_cast %add3A_364 : i32 to index
      %get3A_373 = tpu.vector_load %arg8[%get3A_371, %get3A_372] {strides = array<i32>} : memref<2x4096xf32, #tpu.memory_space<vmem>>, vector<16xf32>,
      %sub3A_374 = arith.subf %get3A_373, %gather3A_369 : vector<16xf32>
      %mul3A_375 = arith.mulf %sub3A_374, %sub3A_374 : vector<16xf32>
      %add3A_376 = arith.addf %scan3A_315, %mul3A_375 : vector<16xf32>
      scf.yield %add3A_328, %add3A_344, %add3A_360, %add3A_376 : vector<16xf32>, vector<16xf32>, vector<16xf32>, vector<16xf32>
    }
    %scan3A_171 = arith.constant 64 : i32
    %add3A_172 = arith.constant 1 : i32
    %add3A_173 = arith.addi %mul3A_2, %add3A_172 : i32
    %dma_start3A_174 = arith.constant 1 : i32
    %dma_start3A_175 = arith.constant 0 : i32
    %dma_start3A_176 = tpu.memref_slice %arg8[%dma_start3A_174, %dma_start3A_175] : memref<2x4096xf32, #tpu.memory_space<vmem>> -> memref<1x4096xf32, #tpu.memory_space<vmem>>
    %dma_start3A_177 = tpu.memref_squeeze %dma_start3A_176 : memref<1x4096xf32, #tpu.memory_space<vmem>> -> memref<4096xf32, #tpu.memory_space<vmem>>
    %dma_start3A_178 = arith.constant 4096 : i32
    %dma_start3A_179 = tpu.memref_slice %arg3[%add3A_173, %dma_start3A_178] : memref<64x16384xf32, #tpu.memory_space<hbm>> -> memref<1x4096xf32, #tpu.memory_space<hbm>>
    %dma_start3A_180 = tpu.memref_squeeze %dma_start3A_179 : memref<1x4096xf32, #tpu.memory_space<hbm>> -> memref<4096xf32, #tpu.memory_space<hbm>>
    %dma_start3A_181 = arith.constant 0 : i32
    %dma_start3A_182 = tpu.memref_slice %arg8[%dma_start3A_174, %dma_start3A_181] : memref<2x4096xf32, #tpu.memory_space<vmem>> -> memref<1x4096xf32, #tpu.memory_space<vmem>>
    %dma_start3A_183 = tpu.memref_squeeze %dma_start3A_182 : memref<1x4096xf32, #tpu.memory_space<vmem>> -> memref<4096xf32, #tpu.memory_space<vmem>>
    %dma_start3A_184 = arith.constant 4096 : i32
    %dma_start3A_185 = tpu.memref_slice %arg3[%add3A_173, %dma_start3A_184] : memref<64x16384xf32, #tpu.memory_space<hbm>> -> memref<1x4096xf32, #tpu.memory_space<hbm>>
    %dma_start3A_186 = tpu.memref_squeeze %dma_start3A_185 : memref<1x4096xf32, #tpu.memory_space<hbm>> -> memref<4096xf32, #tpu.memory_space<hbm>>
    tpu.enqueue_dma source(%dma_start3A_186 : memref<4096xf32, #tpu.memory_space<hbm>>) target(%dma_start3A_183 : memref<4096xf32, #tpu.memory_space<vmem>>) target_semaphore(%arg12 : memref<!tpu.dma_semaphore, #tpu.memory_space<semaphore_mem>>)
    %add3A_187 = arith.constant 1 : i32
    %add3A_188 = arith.addi %mul3A_2, %add3A_187 : i32
    %dma_start3A_189 = arith.constant 0 : i32
    %dma_start3A_190 = tpu.memref_slice %arg4[%add3A_188, %dma_start3A_189] : memref<64x100000xf32, #tpu.memory_space<hbm>> -> memref<1x100000xf32, #tpu.memory_space<hbm>>
    %dma_start3A_191 = tpu.memref_squeeze %dma_start3A_190 : memref<1x100000xf32, #tpu.memory_space<hbm>> -> memref<100000xf32, #tpu.memory_space<hbm>>
    %dma_start3A_192 = arith.constant 0 : i32
    %dma_start3A_193 = tpu.memref_slice %arg4[%add3A_188, %dma_start3A_192] : memref<64x100000xf32, #tpu.memory_space<hbm>> -> memref<1x100000xf32, #tpu.memory_space<hbm>>
    %dma_start3A_194 = tpu.memref_squeeze %dma_start3A_193 : memref<1x100000xf32, #tpu.memory_space<hbm>> -> memref<100000xf32, #tpu.memory_space<hbm>>
    tpu.enqueue_dma source(%dma_start3A_194 : memref<100000xf32, #tpu.memory_space<hbm>>) target(%arg7 : memref<100000xf32, #tpu.memory_space<vmem>>) target_semaphore(%arg11 : memref<!tpu.dma_semaphore, #tpu.memory_space<semaphore_mem>>)
    %dma_wait3A_195 = arith.constant 0 : i32
    %dma_wait3A_196 = tpu.memref_slice %arg4[%add3A_188, %dma_wait3A_195] : memref<64x100000xf32, #tpu.memory_space<hbm>> -> memref<1x100000xf32, #tpu.memory_space<hbm>>
    %dma_wait3A_197 = tpu.memref_squeeze %dma_wait3A_196 : memref<1x100000xf32, #tpu.memory_space<hbm>> -> memref<100000xf32, #tpu.memory_space<hbm>>
    %dma_wait3A_198 = arith.constant 0 : i32
    %dma_wait3A_199 = tpu.memref_slice %arg4[%add3A_188, %dma_wait3A_198] : memref<64x100000xf32, #tpu.memory_space<hbm>> -> memref<1x100000xf32, #tpu.memory_space<hbm>>
    %dma_wait3A_200 = tpu.memref_squeeze %dma_wait3A_199 : memref<1x100000xf32, #tpu.memory_space<hbm>> -> memref<100000xf32, #tpu.memory_space<hbm>>
    tpu.wait_dma2 semaphore(%arg11 : memref<!tpu.dma_semaphore, #tpu.memory_space<semaphore_mem>>) src(%dma_wait3A_200 : memref<100000xf32, #tpu.memory_space<hbm>>) dst(%arg7 : memref<100000xf32, #tpu.memory_space<vmem>>)
    %dma_wait3A_201 = arith.constant 0 : i32
    %dma_wait3A_202 = arith.constant 0 : i32
    %dma_wait3A_203 = tpu.memref_slice %arg8[%dma_wait3A_201, %dma_wait3A_202] : memref<2x4096xf32, #tpu.memory_space<vmem>> -> memref<1x4096xf32, #tpu.memory_space<vmem>>
    %dma_wait3A_204 = tpu.memref_squeeze %dma_wait3A_203 : memref<1x4096xf32, #tpu.memory_space<vmem>> -> memref<4096xf32, #tpu.memory_space<vmem>>
    %dma_wait3A_205 = arith.constant 0 : i32
    %dma_wait3A_206 = tpu.memref_slice %arg3[%add3A_139, %dma_wait3A_205] : memref<64x16384xf32, #tpu.memory_space<hbm>> -> memref<1x4096xf32, #tpu.memory_space<hbm>>
    %dma_wait3A_207 = tpu.memref_squeeze %dma_wait3A_206 : memref<1x4096xf32, #tpu.memory_space<hbm>> -> memref<4096xf32, #tpu.memory_space<hbm>>
    %dma_wait3A_208 = arith.constant 0 : i32
    %dma_wait3A_209 = tpu.memref_slice %arg8[%dma_wait3A_201, %dma_wait3A_208] : memref<2x4096xf32, #tpu.memory_space<vmem>> -> memref<1x4096xf32, #tpu.memory_space<vmem>>
    %dma_wait3A_210 = tpu.memref_squeeze %dma_wait3A_209 : memref<1x4096xf32, #tpu.memory_space<vmem>> -> memref<4096xf32, #tpu.memory_space<vmem>>
    %dma_wait3A_211 = arith.constant 0 : i32
    %dma_wait3A_212 = tpu.memref_slice %arg3[%add3A_139, %dma_wait3A_211] : memref<64x16384xf32, #tpu.memory_space<hbm>> -> memref<1x4096xf32, #tpu.memory_space<hbm>>
    %dma_wait3A_213 = tpu.memref_squeeze %dma_wait3A_212 : memref<1x4096xf32, #tpu.memory_space<hbm>> -> memref<4096xf32, #tpu.memory_space<hbm>>
    tpu.wait_dma2 semaphore(%arg12 : memref<!tpu.dma_semaphore, #tpu.memory_space<semaphore_mem>>) src(%dma_wait3A_213 : memref<4096xf32, #tpu.memory_space<hbm>>) dst(%dma_wait3A_210 : memref<4096xf32, #tpu.memory_space<vmem>>)
    %scan3A_214 = arith.constant 0 : i32
    %scan3A_215 = arith.constant 64 : i32
    %scan3A_216 = arith.addi %scan3A_214, %scan3A_215 : i32
    %scan3A_217 = arith.constant 1 : i32
    %scan3A_218:4 = scf.for %scan3A_311 = %scan3A_214 to %scan3A_216 step %scan3A_217 iter_args(%scan3A_312 = %scan3A_170#0, %scan3A_313 = %scan3A_170#1, %scan3A_314 = %scan3A_170#2, %scan3A_315 = %scan3A_170#3) -> (vector<16xf32>, vector<16xf32>, vector<16xf32>, vector<16xf32>)  : i32 {
      %mul3A_316 = arith.constant 64 : i32
      %mul3A_317 = arith.muli %scan3A_311, %mul3A_316 : i32
      %add3A_318 = arith.constant 0 : i32
      %add3A_319 = arith.addi %mul3A_317, %add3A_318 : i32
      %add3A_320 = arith.constant 0 : i32
      %add3A_321 = arith.addi %add3A_320, %add3A_319 : i32
      %get3A = arith.index_cast %add3A_321 : i32 to index
      %get3A_322 = tpu.vector_load %arg6[%get3A] {strides = array<i32>} : memref<16384xi32, #tpu.memory_space<vmem>>, vector<16xi32>,
      %gather3A = tpu.vector_load_idx %arg7[%get3A_322] : memref<100000xf32, #tpu.memory_space<vmem>>[vector<16xi32>], vector<16xf32>,
      %get3A_323 = arith.constant 0 : i32
      %get3A_324 = arith.index_cast %get3A_323 : i32 to index
      %get3A_325 = arith.index_cast %add3A_319 : i32 to index
      %get3A_326 = tpu.vector_load %arg8[%get3A_324, %get3A_325] {strides = array<i32>} : memref<2x4096xf32, #tpu.memory_space<vmem>>, vector<16xf32>,
      %sub3A = arith.subf %get3A_326, %gather3A : vector<16xf32>
      %mul3A_327 = arith.mulf %sub3A, %sub3A : vector<16xf32>
      %add3A_328 = arith.addf %scan3A_312, %mul3A_327 : vector<16xf32>
      %mul3A_329 = arith.constant 64 : i32
      %mul3A_330 = arith.muli %scan3A_311, %mul3A_329 : i32
      %add3A_331 = arith.constant 16 : i32
      %add3A_332 = arith.addi %mul3A_330, %add3A_331 : i32
      %add3A_333 = arith.constant 0 : i32
      %add3A_334 = arith.addi %add3A_333, %add3A_332 : i32
      %get3A_335 = arith.index_cast %add3A_334 : i32 to index
      %get3A_336 = tpu.vector_load %arg6[%get3A_335] {strides = array<i32>} : memref<16384xi32, #tpu.memory_space<vmem>>, vector<16xi32>,
      %gather3A_337 = tpu.vector_load_idx %arg7[%get3A_336] : memref<100000xf32, #tpu.memory_space<vmem>>[vector<16xi32>], vector<16xf32>,
      %get3A_338 = arith.constant 0 : i32
      %get3A_339 = arith.index_cast %get3A_338 : i32 to index
      %get3A_340 = arith.index_cast %add3A_332 : i32 to index
      %get3A_341 = tpu.vector_load %arg8[%get3A_339, %get3A_340] {strides = array<i32>} : memref<2x4096xf32, #tpu.memory_space<vmem>>, vector<16xf32>,
      %sub3A_342 = arith.subf %get3A_341, %gather3A_337 : vector<16xf32>
      %mul3A_343 = arith.mulf %sub3A_342, %sub3A_342 : vector<16xf32>
      %add3A_344 = arith.addf %scan3A_313, %mul3A_343 : vector<16xf32>
      %mul3A_345 = arith.constant 64 : i32
      %mul3A_346 = arith.muli %scan3A_311, %mul3A_345 : i32
      %add3A_347 = arith.constant 32 : i32
      %add3A_348 = arith.addi %mul3A_346, %add3A_347 : i32
      %add3A_349 = arith.constant 0 : i32
      %add3A_350 = arith.addi %add3A_349, %add3A_348 : i32
      %get3A_351 = arith.index_cast %add3A_350 : i32 to index
      %get3A_352 = tpu.vector_load %arg6[%get3A_351] {strides = array<i32>} : memref<16384xi32, #tpu.memory_space<vmem>>, vector<16xi32>,
      %gather3A_353 = tpu.vector_load_idx %arg7[%get3A_352] : memref<100000xf32, #tpu.memory_space<vmem>>[vector<16xi32>], vector<16xf32>,
      %get3A_354 = arith.constant 0 : i32
      %get3A_355 = arith.index_cast %get3A_354 : i32 to index
      %get3A_356 = arith.index_cast %add3A_348 : i32 to index
      %get3A_357 = tpu.vector_load %arg8[%get3A_355, %get3A_356] {strides = array<i32>} : memref<2x4096xf32, #tpu.memory_space<vmem>>, vector<16xf32>,
      %sub3A_358 = arith.subf %get3A_357, %gather3A_353 : vector<16xf32>
      %mul3A_359 = arith.mulf %sub3A_358, %sub3A_358 : vector<16xf32>
      %add3A_360 = arith.addf %scan3A_314, %mul3A_359 : vector<16xf32>
      %mul3A_361 = arith.constant 64 : i32
      %mul3A_362 = arith.muli %scan3A_311, %mul3A_361 : i32
      %add3A_363 = arith.constant 48 : i32
      %add3A_364 = arith.addi %mul3A_362, %add3A_363 : i32
      %add3A_365 = arith.constant 0 : i32
      %add3A_366 = arith.addi %add3A_365, %add3A_364 : i32
      %get3A_367 = arith.index_cast %add3A_366 : i32 to index
      %get3A_368 = tpu.vector_load %arg6[%get3A_367] {strides = array<i32>} : memref<16384xi32, #tpu.memory_space<vmem>>, vector<16xi32>,
      %gather3A_369 = tpu.vector_load_idx %arg7[%get3A_368] : memref<100000xf32, #tpu.memory_space<vmem>>[vector<16xi32>], vector<16xf32>,
      %get3A_370 = arith.constant 0 : i32
      %get3A_371 = arith.index_cast %get3A_370 : i32 to index
      %get3A_372 = arith.index_cast %add3A_364 : i32 to index
      %get3A_373 = tpu.vector_load %arg8[%get3A_371, %get3A_372] {strides = array<i32>} : memref<2x4096xf32, #tpu.memory_space<vmem>>, vector<16xf32>,
      %sub3A_374 = arith.subf %get3A_373, %gather3A_369 : vector<16xf32>
      %mul3A_375 = arith.mulf %sub3A_374, %sub3A_374 : vector<16xf32>
      %add3A_376 = arith.addf %scan3A_315, %mul3A_375 : vector<16xf32>
      scf.yield %add3A_328, %add3A_344, %add3A_360, %add3A_376 : vector<16xf32>, vector<16xf32>, vector<16xf32>, vector<16xf32>
    }
    %scan3A_219 = arith.constant 64 : i32
    %add3A_220 = arith.constant 1 : i32
    %add3A_221 = arith.addi %mul3A_2, %add3A_220 : i32
    %dma_start3A_222 = arith.constant 0 : i32
    %dma_start3A_223 = arith.constant 0 : i32
    %dma_start3A_224 = tpu.memref_slice %arg8[%dma_start3A_222, %dma_start3A_223] : memref<2x4096xf32, #tpu.memory_space<vmem>> -> memref<1x4096xf32, #tpu.memory_space<vmem>>
    %dma_start3A_225 = tpu.memref_squeeze %dma_start3A_224 : memref<1x4096xf32, #tpu.memory_space<vmem>> -> memref<4096xf32, #tpu.memory_space<vmem>>
    %dma_start3A_226 = arith.constant 8192 : i32
    %dma_start3A_227 = tpu.memref_slice %arg3[%add3A_221, %dma_start3A_226] : memref<64x16384xf32, #tpu.memory_space<hbm>> -> memref<1x4096xf32, #tpu.memory_space<hbm>>
    %dma_start3A_228 = tpu.memref_squeeze %dma_start3A_227 : memref<1x4096xf32, #tpu.memory_space<hbm>> -> memref<4096xf32, #tpu.memory_space<hbm>>
    %dma_start3A_229 = arith.constant 0 : i32
    %dma_start3A_230 = tpu.memref_slice %arg8[%dma_start3A_222, %dma_start3A_229] : memref<2x4096xf32, #tpu.memory_space<vmem>> -> memref<1x4096xf32, #tpu.memory_space<vmem>>
    %dma_start3A_231 = tpu.memref_squeeze %dma_start3A_230 : memref<1x4096xf32, #tpu.memory_space<vmem>> -> memref<4096xf32, #tpu.memory_space<vmem>>
    %dma_start3A_232 = arith.constant 8192 : i32
    %dma_start3A_233 = tpu.memref_slice %arg3[%add3A_221, %dma_start3A_232] : memref<64x16384xf32, #tpu.memory_space<hbm>> -> memref<1x4096xf32, #tpu.memory_space<hbm>>
    %dma_start3A_234 = tpu.memref_squeeze %dma_start3A_233 : memref<1x4096xf32, #tpu.memory_space<hbm>> -> memref<4096xf32, #tpu.memory_space<hbm>>
    tpu.enqueue_dma source(%dma_start3A_234 : memref<4096xf32, #tpu.memory_space<hbm>>) target(%dma_start3A_231 : memref<4096xf32, #tpu.memory_space<vmem>>) target_semaphore(%arg12 : memref<!tpu.dma_semaphore, #tpu.memory_space<semaphore_mem>>)
    %dma_wait3A_235 = arith.constant 1 : i32
    %dma_wait3A_236 = arith.constant 0 : i32
    %dma_wait3A_237 = tpu.memref_slice %arg8[%dma_wait3A_235, %dma_wait3A_236] : memref<2x4096xf32, #tpu.memory_space<vmem>> -> memref<1x4096xf32, #tpu.memory_space<vmem>>
    %dma_wait3A_238 = tpu.memref_squeeze %dma_wait3A_237 : memref<1x4096xf32, #tpu.memory_space<vmem>> -> memref<4096xf32, #tpu.memory_space<vmem>>
    %dma_wait3A_239 = arith.constant 4096 : i32
    %dma_wait3A_240 = tpu.memref_slice %arg3[%add3A_173, %dma_wait3A_239] : memref<64x16384xf32, #tpu.memory_space<hbm>> -> memref<1x4096xf32, #tpu.memory_space<hbm>>
    %dma_wait3A_241 = tpu.memref_squeeze %dma_wait3A_240 : memref<1x4096xf32, #tpu.memory_space<hbm>> -> memref<4096xf32, #tpu.memory_space<hbm>>
    %dma_wait3A_242 = arith.constant 0 : i32
    %dma_wait3A_243 = tpu.memref_slice %arg8[%dma_wait3A_235, %dma_wait3A_242] : memref<2x4096xf32, #tpu.memory_space<vmem>> -> memref<1x4096xf32, #tpu.memory_space<vmem>>
    %dma_wait3A_244 = tpu.memref_squeeze %dma_wait3A_243 : memref<1x4096xf32, #tpu.memory_space<vmem>> -> memref<4096xf32, #tpu.memory_space<vmem>>
    %dma_wait3A_245 = arith.constant 4096 : i32
    %dma_wait3A_246 = tpu.memref_slice %arg3[%add3A_173, %dma_wait3A_245] : memref<64x16384xf32, #tpu.memory_space<hbm>> -> memref<1x4096xf32, #tpu.memory_space<hbm>>
    %dma_wait3A_247 = tpu.memref_squeeze %dma_wait3A_246 : memref<1x4096xf32, #tpu.memory_space<hbm>> -> memref<4096xf32, #tpu.memory_space<hbm>>
    tpu.wait_dma2 semaphore(%arg12 : memref<!tpu.dma_semaphore, #tpu.memory_space<semaphore_mem>>) src(%dma_wait3A_247 : memref<4096xf32, #tpu.memory_space<hbm>>) dst(%dma_wait3A_244 : memref<4096xf32, #tpu.memory_space<vmem>>)
    %scan3A_248 = arith.constant 0 : i32
    %scan3A_249 = arith.constant 64 : i32
    %scan3A_250 = arith.addi %scan3A_248, %scan3A_249 : i32
    %scan3A_251 = arith.constant 1 : i32
    %scan3A_252:4 = scf.for %scan3A_311 = %scan3A_248 to %scan3A_250 step %scan3A_251 iter_args(%scan3A_312 = %scan3A_218#0, %scan3A_313 = %scan3A_218#1, %scan3A_314 = %scan3A_218#2, %scan3A_315 = %scan3A_218#3) -> (vector<16xf32>, vector<16xf32>, vector<16xf32>, vector<16xf32>)  : i32 {
      %mul3A_316 = arith.constant 64 : i32
      %mul3A_317 = arith.muli %scan3A_311, %mul3A_316 : i32
      %add3A_318 = arith.constant 0 : i32
      %add3A_319 = arith.addi %mul3A_317, %add3A_318 : i32
      %add3A_320 = arith.constant 4096 : i32
      %add3A_321 = arith.addi %add3A_320, %add3A_319 : i32
      %get3A = arith.index_cast %add3A_321 : i32 to index
      %get3A_322 = tpu.vector_load %arg6[%get3A] {strides = array<i32>} : memref<16384xi32, #tpu.memory_space<vmem>>, vector<16xi32>,
      %gather3A = tpu.vector_load_idx %arg7[%get3A_322] : memref<100000xf32, #tpu.memory_space<vmem>>[vector<16xi32>], vector<16xf32>,
      %get3A_323 = arith.constant 1 : i32
      %get3A_324 = arith.index_cast %get3A_323 : i32 to index
      %get3A_325 = arith.index_cast %add3A_319 : i32 to index
      %get3A_326 = tpu.vector_load %arg8[%get3A_324, %get3A_325] {strides = array<i32>} : memref<2x4096xf32, #tpu.memory_space<vmem>>, vector<16xf32>,
      %sub3A = arith.subf %get3A_326, %gather3A : vector<16xf32>
      %mul3A_327 = arith.mulf %sub3A, %sub3A : vector<16xf32>
      %add3A_328 = arith.addf %scan3A_312, %mul3A_327 : vector<16xf32>
      %mul3A_329 = arith.constant 64 : i32
      %mul3A_330 = arith.muli %scan3A_311, %mul3A_329 : i32
      %add3A_331 = arith.constant 16 : i32
      %add3A_332 = arith.addi %mul3A_330, %add3A_331 : i32
      %add3A_333 = arith.constant 4096 : i32
      %add3A_334 = arith.addi %add3A_333, %add3A_332 : i32
      %get3A_335 = arith.index_cast %add3A_334 : i32 to index
      %get3A_336 = tpu.vector_load %arg6[%get3A_335] {strides = array<i32>} : memref<16384xi32, #tpu.memory_space<vmem>>, vector<16xi32>,
      %gather3A_337 = tpu.vector_load_idx %arg7[%get3A_336] : memref<100000xf32, #tpu.memory_space<vmem>>[vector<16xi32>], vector<16xf32>,
      %get3A_338 = arith.constant 1 : i32
      %get3A_339 = arith.index_cast %get3A_338 : i32 to index
      %get3A_340 = arith.index_cast %add3A_332 : i32 to index
      %get3A_341 = tpu.vector_load %arg8[%get3A_339, %get3A_340] {strides = array<i32>} : memref<2x4096xf32, #tpu.memory_space<vmem>>, vector<16xf32>,
      %sub3A_342 = arith.subf %get3A_341, %gather3A_337 : vector<16xf32>
      %mul3A_343 = arith.mulf %sub3A_342, %sub3A_342 : vector<16xf32>
      %add3A_344 = arith.addf %scan3A_313, %mul3A_343 : vector<16xf32>
      %mul3A_345 = arith.constant 64 : i32
      %mul3A_346 = arith.muli %scan3A_311, %mul3A_345 : i32
      %add3A_347 = arith.constant 32 : i32
      %add3A_348 = arith.addi %mul3A_346, %add3A_347 : i32
      %add3A_349 = arith.constant 4096 : i32
      %add3A_350 = arith.addi %add3A_349, %add3A_348 : i32
      %get3A_351 = arith.index_cast %add3A_350 : i32 to index
      %get3A_352 = tpu.vector_load %arg6[%get3A_351] {strides = array<i32>} : memref<16384xi32, #tpu.memory_space<vmem>>, vector<16xi32>,
      %gather3A_353 = tpu.vector_load_idx %arg7[%get3A_352] : memref<100000xf32, #tpu.memory_space<vmem>>[vector<16xi32>], vector<16xf32>,
      %get3A_354 = arith.constant 1 : i32
      %get3A_355 = arith.index_cast %get3A_354 : i32 to index
      %get3A_356 = arith.index_cast %add3A_348 : i32 to index
      %get3A_357 = tpu.vector_load %arg8[%get3A_355, %get3A_356] {strides = array<i32>} : memref<2x4096xf32, #tpu.memory_space<vmem>>, vector<16xf32>,
      %sub3A_358 = arith.subf %get3A_357, %gather3A_353 : vector<16xf32>
      %mul3A_359 = arith.mulf %sub3A_358, %sub3A_358 : vector<16xf32>
      %add3A_360 = arith.addf %scan3A_314, %mul3A_359 : vector<16xf32>
      %mul3A_361 = arith.constant 64 : i32
      %mul3A_362 = arith.muli %scan3A_311, %mul3A_361 : i32
      %add3A_363 = arith.constant 48 : i32
      %add3A_364 = arith.addi %mul3A_362, %add3A_363 : i32
      %add3A_365 = arith.constant 4096 : i32
      %add3A_366 = arith.addi %add3A_365, %add3A_364 : i32
      %get3A_367 = arith.index_cast %add3A_366 : i32 to index
      %get3A_368 = tpu.vector_load %arg6[%get3A_367] {strides = array<i32>} : memref<16384xi32, #tpu.memory_space<vmem>>, vector<16xi32>,
      %gather3A_369 = tpu.vector_load_idx %arg7[%get3A_368] : memref<100000xf32, #tpu.memory_space<vmem>>[vector<16xi32>], vector<16xf32>,
      %get3A_370 = arith.constant 1 : i32
      %get3A_371 = arith.index_cast %get3A_370 : i32 to index
      %get3A_372 = arith.index_cast %add3A_364 : i32 to index
      %get3A_373 = tpu.vector_load %arg8[%get3A_371, %get3A_372] {strides = array<i32>} : memref<2x4096xf32, #tpu.memory_space<vmem>>, vector<16xf32>,
      %sub3A_374 = arith.subf %get3A_373, %gather3A_369 : vector<16xf32>
      %mul3A_375 = arith.mulf %sub3A_374, %sub3A_374 : vector<16xf32>
      %add3A_376 = arith.addf %scan3A_315, %mul3A_375 : vector<16xf32>
      scf.yield %add3A_328, %add3A_344, %add3A_360, %add3A_376 : vector<16xf32>, vector<16xf32>, vector<16xf32>, vector<16xf32>
    }
    %scan3A_253 = arith.constant 64 : i32
    %add3A_254 = arith.constant 1 : i32
    %add3A_255 = arith.addi %mul3A_2, %add3A_254 : i32
    %dma_start3A_256 = arith.constant 1 : i32
    %dma_start3A_257 = arith.constant 0 : i32
    %dma_start3A_258 = tpu.memref_slice %arg8[%dma_start3A_256, %dma_start3A_257] : memref<2x4096xf32, #tpu.memory_space<vmem>> -> memref<1x4096xf32, #tpu.memory_space<vmem>>
    %dma_start3A_259 = tpu.memref_squeeze %dma_start3A_258 : memref<1x4096xf32, #tpu.memory_space<vmem>> -> memref<4096xf32, #tpu.memory_space<vmem>>
    %dma_start3A_260 = arith.constant 12288 : i32
    %dma_start3A_261 = tpu.memref_slice %arg3[%add3A_255, %dma_start3A_260] : memref<64x16384xf32, #tpu.memory_space<hbm>> -> memref<1x4096xf32, #tpu.memory_space<hbm>>
    %dma_start3A_262 = tpu.memref_squeeze %dma_start3A_261 : memref<1x4096xf32, #tpu.memory_space<hbm>> -> memref<4096xf32, #tpu.memory_space<hbm>>
    %dma_start3A_263 = arith.constant 0 : i32
    %dma_start3A_264 = tpu.memref_slice %arg8[%dma_start3A_256, %dma_start3A_263] : memref<2x4096xf32, #tpu.memory_space<vmem>> -> memref<1x4096xf32, #tpu.memory_space<vmem>>
    %dma_start3A_265 = tpu.memref_squeeze %dma_start3A_264 : memref<1x4096xf32, #tpu.memory_space<vmem>> -> memref<4096xf32, #tpu.memory_space<vmem>>
    %dma_start3A_266 = arith.constant 12288 : i32
    %dma_start3A_267 = tpu.memref_slice %arg3[%add3A_255, %dma_start3A_266] : memref<64x16384xf32, #tpu.memory_space<hbm>> -> memref<1x4096xf32, #tpu.memory_space<hbm>>
    %dma_start3A_268 = tpu.memref_squeeze %dma_start3A_267 : memref<1x4096xf32, #tpu.memory_space<hbm>> -> memref<4096xf32, #tpu.memory_space<hbm>>
    tpu.enqueue_dma source(%dma_start3A_268 : memref<4096xf32, #tpu.memory_space<hbm>>) target(%dma_start3A_265 : memref<4096xf32, #tpu.memory_space<vmem>>) target_semaphore(%arg12 : memref<!tpu.dma_semaphore, #tpu.memory_space<semaphore_mem>>)
    %dma_wait3A_269 = arith.constant 0 : i32
    %dma_wait3A_270 = arith.constant 0 : i32
    %dma_wait3A_271 = tpu.memref_slice %arg8[%dma_wait3A_269, %dma_wait3A_270] : memref<2x4096xf32, #tpu.memory_space<vmem>> -> memref<1x4096xf32, #tpu.memory_space<vmem>>
    %dma_wait3A_272 = tpu.memref_squeeze %dma_wait3A_271 : memref<1x4096xf32, #tpu.memory_space<vmem>> -> memref<4096xf32, #tpu.memory_space<vmem>>
    %dma_wait3A_273 = arith.constant 8192 : i32
    %dma_wait3A_274 = tpu.memref_slice %arg3[%add3A_221, %dma_wait3A_273] : memref<64x16384xf32, #tpu.memory_space<hbm>> -> memref<1x4096xf32, #tpu.memory_space<hbm>>
    %dma_wait3A_275 = tpu.memref_squeeze %dma_wait3A_274 : memref<1x4096xf32, #tpu.memory_space<hbm>> -> memref<4096xf32, #tpu.memory_space<hbm>>
    %dma_wait3A_276 = arith.constant 0 : i32
    %dma_wait3A_277 = tpu.memref_slice %arg8[%dma_wait3A_269, %dma_wait3A_276] : memref<2x4096xf32, #tpu.memory_space<vmem>> -> memref<1x4096xf32, #tpu.memory_space<vmem>>
    %dma_wait3A_278 = tpu.memref_squeeze %dma_wait3A_277 : memref<1x4096xf32, #tpu.memory_space<vmem>> -> memref<4096xf32, #tpu.memory_space<vmem>>
    %dma_wait3A_279 = arith.constant 8192 : i32
    %dma_wait3A_280 = tpu.memref_slice %arg3[%add3A_221, %dma_wait3A_279] : memref<64x16384xf32, #tpu.memory_space<hbm>> -> memref<1x4096xf32, #tpu.memory_space<hbm>>
    %dma_wait3A_281 = tpu.memref_squeeze %dma_wait3A_280 : memref<1x4096xf32, #tpu.memory_space<hbm>> -> memref<4096xf32, #tpu.memory_space<hbm>>
    tpu.wait_dma2 semaphore(%arg12 : memref<!tpu.dma_semaphore, #tpu.memory_space<semaphore_mem>>) src(%dma_wait3A_281 : memref<4096xf32, #tpu.memory_space<hbm>>) dst(%dma_wait3A_278 : memref<4096xf32, #tpu.memory_space<vmem>>)
    %scan3A_282 = arith.constant 0 : i32
    %scan3A_283 = arith.constant 64 : i32
    %scan3A_284 = arith.addi %scan3A_282, %scan3A_283 : i32
    %scan3A_285 = arith.constant 1 : i32
    %scan3A_286:4 = scf.for %scan3A_311 = %scan3A_282 to %scan3A_284 step %scan3A_285 iter_args(%scan3A_312 = %scan3A_252#0, %scan3A_313 = %scan3A_252#1, %scan3A_314 = %scan3A_252#2, %scan3A_315 = %scan3A_252#3) -> (vector<16xf32>, vector<16xf32>, vector<16xf32>, vector<16xf32>)  : i32 {
      %mul3A_316 = arith.constant 64 : i32
      %mul3A_317 = arith.muli %scan3A_311, %mul3A_316 : i32
      %add3A_318 = arith.constant 0 : i32
      %add3A_319 = arith.addi %mul3A_317, %add3A_318 : i32
      %add3A_320 = arith.constant 8192 : i32
      %add3A_321 = arith.addi %add3A_320, %add3A_319 : i32
      %get3A = arith.index_cast %add3A_321 : i32 to index
      %get3A_322 = tpu.vector_load %arg6[%get3A] {strides = array<i32>} : memref<16384xi32, #tpu.memory_space<vmem>>, vector<16xi32>,
      %gather3A = tpu.vector_load_idx %arg7[%get3A_322] : memref<100000xf32, #tpu.memory_space<vmem>>[vector<16xi32>], vector<16xf32>,
      %get3A_323 = arith.constant 0 : i32
      %get3A_324 = arith.index_cast %get3A_323 : i32 to index
      %get3A_325 = arith.index_cast %add3A_319 : i32 to index
      %get3A_326 = tpu.vector_load %arg8[%get3A_324, %get3A_325] {strides = array<i32>} : memref<2x4096xf32, #tpu.memory_space<vmem>>, vector<16xf32>,
      %sub3A = arith.subf %get3A_326, %gather3A : vector<16xf32>
      %mul3A_327 = arith.mulf %sub3A, %sub3A : vector<16xf32>
      %add3A_328 = arith.addf %scan3A_312, %mul3A_327 : vector<16xf32>
      %mul3A_329 = arith.constant 64 : i32
      %mul3A_330 = arith.muli %scan3A_311, %mul3A_329 : i32
      %add3A_331 = arith.constant 16 : i32
      %add3A_332 = arith.addi %mul3A_330, %add3A_331 : i32
      %add3A_333 = arith.constant 8192 : i32
      %add3A_334 = arith.addi %add3A_333, %add3A_332 : i32
      %get3A_335 = arith.index_cast %add3A_334 : i32 to index
      %get3A_336 = tpu.vector_load %arg6[%get3A_335] {strides = array<i32>} : memref<16384xi32, #tpu.memory_space<vmem>>, vector<16xi32>,
      %gather3A_337 = tpu.vector_load_idx %arg7[%get3A_336] : memref<100000xf32, #tpu.memory_space<vmem>>[vector<16xi32>], vector<16xf32>,
      %get3A_338 = arith.constant 0 : i32
      %get3A_339 = arith.index_cast %get3A_338 : i32 to index
      %get3A_340 = arith.index_cast %add3A_332 : i32 to index
      %get3A_341 = tpu.vector_load %arg8[%get3A_339, %get3A_340] {strides = array<i32>} : memref<2x4096xf32, #tpu.memory_space<vmem>>, vector<16xf32>,
      %sub3A_342 = arith.subf %get3A_341, %gather3A_337 : vector<16xf32>
      %mul3A_343 = arith.mulf %sub3A_342, %sub3A_342 : vector<16xf32>
      %add3A_344 = arith.addf %scan3A_313, %mul3A_343 : vector<16xf32>
      %mul3A_345 = arith.constant 64 : i32
      %mul3A_346 = arith.muli %scan3A_311, %mul3A_345 : i32
      %add3A_347 = arith.constant 32 : i32
      %add3A_348 = arith.addi %mul3A_346, %add3A_347 : i32
      %add3A_349 = arith.constant 8192 : i32
      %add3A_350 = arith.addi %add3A_349, %add3A_348 : i32
      %get3A_351 = arith.index_cast %add3A_350 : i32 to index
      %get3A_352 = tpu.vector_load %arg6[%get3A_351] {strides = array<i32>} : memref<16384xi32, #tpu.memory_space<vmem>>, vector<16xi32>,
      %gather3A_353 = tpu.vector_load_idx %arg7[%get3A_352] : memref<100000xf32, #tpu.memory_space<vmem>>[vector<16xi32>], vector<16xf32>,
      %get3A_354 = arith.constant 0 : i32
      %get3A_355 = arith.index_cast %get3A_354 : i32 to index
      %get3A_356 = arith.index_cast %add3A_348 : i32 to index
      %get3A_357 = tpu.vector_load %arg8[%get3A_355, %get3A_356] {strides = array<i32>} : memref<2x4096xf32, #tpu.memory_space<vmem>>, vector<16xf32>,
      %sub3A_358 = arith.subf %get3A_357, %gather3A_353 : vector<16xf32>
      %mul3A_359 = arith.mulf %sub3A_358, %sub3A_358 : vector<16xf32>
      %add3A_360 = arith.addf %scan3A_314, %mul3A_359 : vector<16xf32>
      %mul3A_361 = arith.constant 64 : i32
      %mul3A_362 = arith.muli %scan3A_311, %mul3A_361 : i32
      %add3A_363 = arith.constant 48 : i32
      %add3A_364 = arith.addi %mul3A_362, %add3A_363 : i32
      %add3A_365 = arith.constant 8192 : i32
      %add3A_366 = arith.addi %add3A_365, %add3A_364 : i32
      %get3A_367 = arith.index_cast %add3A_366 : i32 to index
      %get3A_368 = tpu.vector_load %arg6[%get3A_367] {strides = array<i32>} : memref<16384xi32, #tpu.memory_space<vmem>>, vector<16xi32>,
      %gather3A_369 = tpu.vector_load_idx %arg7[%get3A_368] : memref<100000xf32, #tpu.memory_space<vmem>>[vector<16xi32>], vector<16xf32>,
      %get3A_370 = arith.constant 0 : i32
      %get3A_371 = arith.index_cast %get3A_370 : i32 to index
      %get3A_372 = arith.index_cast %add3A_364 : i32 to index
      %get3A_373 = tpu.vector_load %arg8[%get3A_371, %get3A_372] {strides = array<i32>} : memref<2x4096xf32, #tpu.memory_space<vmem>>, vector<16xf32>,
      %sub3A_374 = arith.subf %get3A_373, %gather3A_369 : vector<16xf32>
      %mul3A_375 = arith.mulf %sub3A_374, %sub3A_374 : vector<16xf32>
      %add3A_376 = arith.addf %scan3A_315, %mul3A_375 : vector<16xf32>
      scf.yield %add3A_328, %add3A_344, %add3A_360, %add3A_376 : vector<16xf32>, vector<16xf32>, vector<16xf32>, vector<16xf32>
    }
    %scan3A_287 = arith.constant 64 : i32
    %dma_wait3A_288 = arith.constant 1 : i32
    %dma_wait3A_289 = arith.constant 0 : i32
    %dma_wait3A_290 = tpu.memref_slice %arg8[%dma_wait3A_288, %dma_wait3A_289] : memref<2x4096xf32, #tpu.memory_space<vmem>> -> memref<1x4096xf32, #tpu.memory_space<vmem>>
    %dma_wait3A_291 = tpu.memref_squeeze %dma_wait3A_290 : memref<1x4096xf32, #tpu.memory_space<vmem>> -> memref<4096xf32, #tpu.memory_space<vmem>>
    %dma_wait3A_292 = arith.constant 12288 : i32
    %dma_wait3A_293 = tpu.memref_slice %arg3[%add3A_255, %dma_wait3A_292] : memref<64x16384xf32, #tpu.memory_space<hbm>> -> memref<1x4096xf32, #tpu.memory_space<hbm>>
    %dma_wait3A_294 = tpu.memref_squeeze %dma_wait3A_293 : memref<1x4096xf32, #tpu.memory_space<hbm>> -> memref<4096xf32, #tpu.memory_space<hbm>>
    %dma_wait3A_295 = arith.constant 0 : i32
    %dma_wait3A_296 = tpu.memref_slice %arg8[%dma_wait3A_288, %dma_wait3A_295] : memref<2x4096xf32, #tpu.memory_space<vmem>> -> memref<1x4096xf32, #tpu.memory_space<vmem>>
    %dma_wait3A_297 = tpu.memref_squeeze %dma_wait3A_296 : memref<1x4096xf32, #tpu.memory_space<vmem>> -> memref<4096xf32, #tpu.memory_space<vmem>>
    %dma_wait3A_298 = arith.constant 12288 : i32
    %dma_wait3A_299 = tpu.memref_slice %arg3[%add3A_255, %dma_wait3A_298] : memref<64x16384xf32, #tpu.memory_space<hbm>> -> memref<1x4096xf32, #tpu.memory_space<hbm>>
    %dma_wait3A_300 = tpu.memref_squeeze %dma_wait3A_299 : memref<1x4096xf32, #tpu.memory_space<hbm>> -> memref<4096xf32, #tpu.memory_space<hbm>>
    tpu.wait_dma2 semaphore(%arg12 : memref<!tpu.dma_semaphore, #tpu.memory_space<semaphore_mem>>) src(%dma_wait3A_300 : memref<4096xf32, #tpu.memory_space<hbm>>) dst(%dma_wait3A_297 : memref<4096xf32, #tpu.memory_space<vmem>>)
    %scan3A_301 = arith.constant 0 : i32
    %scan3A_302 = arith.constant 64 : i32
    %scan3A_303 = arith.addi %scan3A_301, %scan3A_302 : i32
    %scan3A_304 = arith.constant 1 : i32
    %scan3A_305:4 = scf.for %scan3A_311 = %scan3A_301 to %scan3A_303 step %scan3A_304 iter_args(%scan3A_312 = %scan3A_286#0, %scan3A_313 = %scan3A_286#1, %scan3A_314 = %scan3A_286#2, %scan3A_315 = %scan3A_286#3) -> (vector<16xf32>, vector<16xf32>, vector<16xf32>, vector<16xf32>)  : i32 {
      %mul3A_316 = arith.constant 64 : i32
      %mul3A_317 = arith.muli %scan3A_311, %mul3A_316 : i32
      %add3A_318 = arith.constant 0 : i32
      %add3A_319 = arith.addi %mul3A_317, %add3A_318 : i32
      %add3A_320 = arith.constant 12288 : i32
      %add3A_321 = arith.addi %add3A_320, %add3A_319 : i32
      %get3A = arith.index_cast %add3A_321 : i32 to index
      %get3A_322 = tpu.vector_load %arg6[%get3A] {strides = array<i32>} : memref<16384xi32, #tpu.memory_space<vmem>>, vector<16xi32>,
      %gather3A = tpu.vector_load_idx %arg7[%get3A_322] : memref<100000xf32, #tpu.memory_space<vmem>>[vector<16xi32>], vector<16xf32>,
      %get3A_323 = arith.constant 1 : i32
      %get3A_324 = arith.index_cast %get3A_323 : i32 to index
      %get3A_325 = arith.index_cast %add3A_319 : i32 to index
      %get3A_326 = tpu.vector_load %arg8[%get3A_324, %get3A_325] {strides = array<i32>} : memref<2x4096xf32, #tpu.memory_space<vmem>>, vector<16xf32>,
      %sub3A = arith.subf %get3A_326, %gather3A : vector<16xf32>
      %mul3A_327 = arith.mulf %sub3A, %sub3A : vector<16xf32>
      %add3A_328 = arith.addf %scan3A_312, %mul3A_327 : vector<16xf32>
      %mul3A_329 = arith.constant 64 : i32
      %mul3A_330 = arith.muli %scan3A_311, %mul3A_329 : i32
      %add3A_331 = arith.constant 16 : i32
      %add3A_332 = arith.addi %mul3A_330, %add3A_331 : i32
      %add3A_333 = arith.constant 12288 : i32
      %add3A_334 = arith.addi %add3A_333, %add3A_332 : i32
      %get3A_335 = arith.index_cast %add3A_334 : i32 to index
      %get3A_336 = tpu.vector_load %arg6[%get3A_335] {strides = array<i32>} : memref<16384xi32, #tpu.memory_space<vmem>>, vector<16xi32>,
      %gather3A_337 = tpu.vector_load_idx %arg7[%get3A_336] : memref<100000xf32, #tpu.memory_space<vmem>>[vector<16xi32>], vector<16xf32>,
      %get3A_338 = arith.constant 1 : i32
      %get3A_339 = arith.index_cast %get3A_338 : i32 to index
      %get3A_340 = arith.index_cast %add3A_332 : i32 to index
      %get3A_341 = tpu.vector_load %arg8[%get3A_339, %get3A_340] {strides = array<i32>} : memref<2x4096xf32, #tpu.memory_space<vmem>>, vector<16xf32>,
      %sub3A_342 = arith.subf %get3A_341, %gather3A_337 : vector<16xf32>
      %mul3A_343 = arith.mulf %sub3A_342, %sub3A_342 : vector<16xf32>
      %add3A_344 = arith.addf %scan3A_313, %mul3A_343 : vector<16xf32>
      %mul3A_345 = arith.constant 64 : i32
      %mul3A_346 = arith.muli %scan3A_311, %mul3A_345 : i32
      %add3A_347 = arith.constant 32 : i32
      %add3A_348 = arith.addi %mul3A_346, %add3A_347 : i32
      %add3A_349 = arith.constant 12288 : i32
      %add3A_350 = arith.addi %add3A_349, %add3A_348 : i32
      %get3A_351 = arith.index_cast %add3A_350 : i32 to index
      %get3A_352 = tpu.vector_load %arg6[%get3A_351] {strides = array<i32>} : memref<16384xi32, #tpu.memory_space<vmem>>, vector<16xi32>,
      %gather3A_353 = tpu.vector_load_idx %arg7[%get3A_352] : memref<100000xf32, #tpu.memory_space<vmem>>[vector<16xi32>], vector<16xf32>,
      %get3A_354 = arith.constant 1 : i32
      %get3A_355 = arith.index_cast %get3A_354 : i32 to index
      %get3A_356 = arith.index_cast %add3A_348 : i32 to index
      %get3A_357 = tpu.vector_load %arg8[%get3A_355, %get3A_356] {strides = array<i32>} : memref<2x4096xf32, #tpu.memory_space<vmem>>, vector<16xf32>,
      %sub3A_358 = arith.subf %get3A_357, %gather3A_353 : vector<16xf32>
      %mul3A_359 = arith.mulf %sub3A_358, %sub3A_358 : vector<16xf32>
      %add3A_360 = arith.addf %scan3A_314, %mul3A_359 : vector<16xf32>
      %mul3A_361 = arith.constant 64 : i32
      %mul3A_362 = arith.muli %scan3A_311, %mul3A_361 : i32
      %add3A_363 = arith.constant 48 : i32
      %add3A_364 = arith.addi %mul3A_362, %add3A_363 : i32
      %add3A_365 = arith.constant 12288 : i32
      %add3A_366 = arith.addi %add3A_365, %add3A_364 : i32
      %get3A_367 = arith.index_cast %add3A_366 : i32 to index
      %get3A_368 = tpu.vector_load %arg6[%get3A_367] {strides = array<i32>} : memref<16384xi32, #tpu.memory_space<vmem>>, vector<16xi32>,
      %gather3A_369 = tpu.vector_load_idx %arg7[%get3A_368] : memref<100000xf32, #tpu.memory_space<vmem>>[vector<16xi32>], vector<16xf32>,
      %get3A_370 = arith.constant 1 : i32
      %get3A_371 = arith.index_cast %get3A_370 : i32 to index
      %get3A_372 = arith.index_cast %add3A_364 : i32 to index
      %get3A_373 = tpu.vector_load %arg8[%get3A_371, %get3A_372] {strides = array<i32>} : memref<2x4096xf32, #tpu.memory_space<vmem>>, vector<16xf32>,
      %sub3A_374 = arith.subf %get3A_373, %gather3A_369 : vector<16xf32>
      %mul3A_375 = arith.mulf %sub3A_374, %sub3A_374 : vector<16xf32>
      %add3A_376 = arith.addf %scan3A_315, %mul3A_375 : vector<16xf32>
      scf.yield %add3A_328, %add3A_344, %add3A_360, %add3A_376 : vector<16xf32>, vector<16xf32>, vector<16xf32>, vector<16xf32>
    }
    %scan3A_306 = arith.constant 64 : i32
    %add3A_307 = arith.addf %scan3A_305#0, %scan3A_305#1 : vector<16xf32>
    %add3A_308 = arith.addf %scan3A_305#2, %scan3A_305#3 : vector<16xf32>
    %add3A_309 = arith.addf %add3A_307, %add3A_308 : vector<16xf32>
    %swap3A = arith.constant 0 : index
    %swap3A_310 = tpu.vector_load %arg9[%swap3A] {strides = array<i32>} : memref<16xf32, #tpu.memory_space<vmem>>, vector<16xf32>,
    tpu.vector_store %arg9[%swap3A], %add3A_309 {strides = array<i32>} : memref<16xf32, #tpu.memory_space<vmem>>, vector<16xf32>,
    "tpu.region"() ({
      %run_scoped3A = tpu.sem_alloc : memref<!tpu.dma_semaphore, #tpu.memory_space<semaphore_mem>>
      %dma_start3A_311 = arith.constant 0 : i32
      %dma_start3A_312 = tpu.memref_slice %arg5[%add3A, %dma_start3A_311] : memref<32x16xf32, #tpu.memory_space<hbm>> -> memref<1x16xf32, #tpu.memory_space<hbm>>
      %dma_start3A_313 = tpu.memref_squeeze %dma_start3A_312 : memref<1x16xf32, #tpu.memory_space<hbm>> -> memref<16xf32, #tpu.memory_space<hbm>>
      %dma_start3A_314 = arith.constant 0 : i32
      %dma_start3A_315 = tpu.memref_slice %arg5[%add3A, %dma_start3A_314] : memref<32x16xf32, #tpu.memory_space<hbm>> -> memref<1x16xf32, #tpu.memory_space<hbm>>
      %dma_start3A_316 = tpu.memref_squeeze %dma_start3A_315 : memref<1x16xf32, #tpu.memory_space<hbm>> -> memref<16xf32, #tpu.memory_space<hbm>>
      tpu.enqueue_dma source(%arg9 : memref<16xf32, #tpu.memory_space<vmem>>) target(%dma_start3A_316 : memref<16xf32, #tpu.memory_space<hbm>>) target_semaphore(%run_scoped3A : memref<!tpu.dma_semaphore, #tpu.memory_space<semaphore_mem>>)
      %dma_wait3A_317 = arith.constant 0 : i32
      %dma_wait3A_318 = tpu.memref_slice %arg5[%add3A, %dma_wait3A_317] : memref<32x16xf32, #tpu.memory_space<hbm>> -> memref<1x16xf32, #tpu.memory_space<hbm>>
      %dma_wait3A_319 = tpu.memref_squeeze %dma_wait3A_318 : memref<1x16xf32, #tpu.memory_space<hbm>> -> memref<16xf32, #tpu.memory_space<hbm>>
      %dma_wait3A_320 = arith.constant 0 : i32
      %dma_wait3A_321 = tpu.memref_slice %arg5[%add3A, %dma_wait3A_320] : memref<32x16xf32, #tpu.memory_space<hbm>> -> memref<1x16xf32, #tpu.memory_space<hbm>>
      %dma_wait3A_322 = tpu.memref_squeeze %dma_wait3A_321 : memref<1x16xf32, #tpu.memory_space<hbm>> -> memref<16xf32, #tpu.memory_space<hbm>>
      tpu.wait_dma2 semaphore(%run_scoped3A : memref<!tpu.dma_semaphore, #tpu.memory_space<semaphore_mem>>) src(%arg9 : memref<16xf32, #tpu.memory_space<vmem>>) dst(%dma_wait3A_322 : memref<16xf32, #tpu.memory_space<hbm>>)
      tpu.yield
    }) : () -> ()
    return
  }
}

</mosaic_0001>

<sc_bundles>
// kernel: kernel.3.cloned.1.call-start
scs
__scs_entry_jumppad:
0x0: {  	(pc) =	sbr.rel $0x88, $3  }
0x1: {  	(tag) =	ssettag $0x0;
	lr =	simm.s32 $0x1  }
0x2: {  	[smem:$0x3F9E] =	sst lr;
	_ =	strace $0xD0000000  }
0x3: {  	_ = 	snop  }
0x4: {  	_ = 	snop  }
0x5: {  	_ = 	snop  }
0x6: {  	_ = 	snop  }
0x7: {  	_ = 	snop  }
__scs_overlays_trampoline_lowered:
0x8: {  	[smem:$0x3FAD] =	sst s0  }
0x9: {  	[smem:$0x3FAE] =	sst s1  }
0xa: {  	[smem:$0x3FAF] =	sst s2  }
0xb: {  	[smem:$0x3FB0] =	sst s3  }
0xc: {  	[smem:$0x3FB1] =	sst s4  }
0xd: {  	[smem:$0x3FB2] =	sst s5  }
0xe: {  	[smem:$0x3FB3] =	sst s6  }
0xf: {  	[smem:$0x3FB4] =	sst s7  }
0x10: {  	[smem:$0x3FB5] =	sst s8  }
0x11: {  	[smem:$0x3FB6] =	sst s9;
	s0 =	simm.s32 @!p0 $0x0  }
0x12: {  	s1 =	sld [smem:$0x3F9C];
	s0 =	simm.s32 @p0 $0x1  }
0x13: {  	[smem:$0x3FB7] =	sst s0;
	s0 =	simm.s32 @!p1 $0x0  }
0x14: {  	s2 =	sld [smem:$0x3F9B];
	s0 =	simm.s32 @p1 $0x1  }
0x15: {  	[smem:$0x3FB8] =	sst s0;
	s0 =	simm.s32 @!p2 $0x0  }
0x16: {  	s3 =	sld [smem:$0x3FDB];
	s0 =	simm.s32 @p2 $0x1  }
0x17: {  	s4 =	simm.s32 $0x1BF5;
	[smem:$0x3FBA] =	sst s0  }
0x18: {  	s0 =	sld [smem:$0x3F9D];
	_ =	swait.ge [sflag:s4], $0x0  }
0x19: {  	s7 =	sld [smem:$0x3F9E]  }
0x1a: {  	s8 =	sadd.s32 $0xFFFFE003, lr  }
0x1b: {  	s9 =	sadd.s32 $0xFFFFFEF7, lr;
	s5 =	simm.s32 $0xFFFFFFFF;
	p2 =	slt.u32 s8, $0xFFFFF086  }
0x1c: {  	p1 =	slt.u32 s9, $0xF7A;
	s5 =	simm.s32 @!p2 $0x0  }
0x1d: {  	s5 =	simm.s32 @p1 $0x1;
	p0 =	seq.s32 s7, s2  }
0x1e: {  	s7 =	smul.u32 @!p0 $0xF7A, s2;
	p2 =	seq.s32 @!p0 s5, $0x0  }
0x1f: {  	s9 =	smul.u32 $0xF7A, s1;
	s8 =	simm.s32 @!p0 $0x1BF5;
	p2 =	por !p2, p0  }
0x20: {  	[sflag:s8] =	ssyncset.s32 @!p0 $0xFFFFF086;
	s6 =	sadd.s32 @!p0 s3, s7;
	s7 =	simm.s32 @!p0 $0x108  }
0x21: {  	s3 =	sadd.s32 s3, s9;
	s6 =	sadd.s32 @!p0 $0x88, s6;
	s7 =	simm.s32 @p2 $0x1082  }
0x22: {  	[simem:s7], [sflag:s8] =	dma.local @!p0 [hbm:s6], $0xF7A  }
0x23: {  	s9 =	sor.u32 $0xD0000000, s2;
	s6 =	simm.s32 $0x108;
	_ =	swait.ge @!p0 [sflag:s8], $0x0  }
0x24: {  	s3 =	sadd.s32 $0x88, s3;
	s6 =	simm.s32 @!p1 $0x1082;
	[sflag:s4] =	ssyncset.s32 $0xFFFFF086  }
0x25: {  	[simem:s6], [sflag:s4] =	dma.local [hbm:s3], $0xF7A  }
0x26: {  	[smem:$0x3F9E] =	sst s1;
	(tag) =	ssettag s2;
	_ =	strace s9  }
0x27: {  	s1 =	sld [smem:$0x3FAE]  }
0x28: {  	s2 =	sld [smem:$0x3FAF]  }
0x29: {  	s4 =	sld [smem:$0x3FB1]  }
0x2a: {  	p0 =	seq.s32 s5, $0x0;
	s5 =	sld [smem:$0x3FB2]  }
0x2b: {  	s6 =	sld [smem:$0x3FB3]  }
0x2c: {  	s7 =	sld [smem:$0x3FB4]  }
0x2d: {  	s3 =	simm.s32 $0x108;
	s8 =	sld [smem:$0x3FB5]  }
0x2e: {  	s3 =	simm.s32 @!p0 $0x1082;
	s9 =	sld [smem:$0x3FB6]  }
0x2f: {  	lr =	sadd.s32 s0, s3;
	s0 =	sld [smem:$0x3FAD]  }
0x30: {  	s3 =	sld [smem:$0x3FB0]  }
0x31: {  	[smem:$0x3FB9] =	sst s10  }
0x32: {  	s10 =	sld [smem:$0x3FB7];
	_ =	sdelay $0x3  }
0x33: {  	p0 =	seq.s32 s10, $0x1;
	s10 =	sld [smem:$0x3FB9];
	_ =	sdelay $0x3  }
0x34: {  	[smem:$0x3FB9] =	sst s10  }
0x35: {  	s10 =	sld [smem:$0x3FB8];
	_ =	sdelay $0x3  }
0x36: {  	p1 =	seq.s32 s10, $0x1;
	s10 =	sld [smem:$0x3FB9];
	_ =	sdelay $0x3  }
0x37: {  	[smem:$0x3FB9] =	sst s10  }
0x38: {  	s10 =	sld [smem:$0x3FBA]  }
0x39: {  	_ = 	snop;
	(pc) =	sbr.ind lr, $3  }
0x3a: {  	_ = 	snop  }
0x3b: {  	_ = 	snop  }
0x3c: {  	p2 =	seq.s32 s10, $0x1;
	s10 =	sld [smem:$0x3FB9]  }
0x3d: {  	_ =	shalt  }
0x3e: {  	_ =	shalt  }
0x3f: {  	_ =	shalt  }
0x40: {  	_ =	shalt  }
0x41: {  	_ =	shalt  }
0x42: {  	_ =	shalt  }
0x43: {  	_ =	shalt  }
0x44: {  	_ =	shalt  }
0x45: {  	_ =	shalt  }
0x46: {  	_ =	shalt  }
0x47: {  	_ =	shalt  }
0x48: {  	_ =	shalt  }
0x49: {  	_ =	shalt  }
0x4a: {  	_ =	shalt  }
0x4b: {  	_ =	shalt  }
0x4c: {  	_ =	shalt  }
0x4d: {  	_ =	shalt  }
0x4e: {  	_ =	shalt  }
0x4f: {  	_ =	shalt  }
0x50: {  	_ =	shalt  }
0x51: {  	_ =	shalt  }
0x52: {  	_ =	shalt  }
0x53: {  	_ =	shalt  }
0x54: {  	_ =	shalt  }
0x55: {  	_ =	shalt  }
0x56: {  	_ =	shalt  }
0x57: {  	_ =	shalt  }
0x58: {  	_ =	shalt  }
0x59: {  	_ =	shalt  }
0x5a: {  	_ =	shalt  }
0x5b: {  	_ =	shalt  }
0x5c: {  	_ =	shalt  }
0x5d: {  	_ =	shalt  }
0x5e: {  	_ =	shalt  }
0x5f: {  	_ =	shalt  }
0x60: {  	_ =	shalt  }
0x61: {  	_ =	shalt  }
0x62: {  	_ =	shalt  }
0x63: {  	_ =	shalt  }
0x64: {  	_ =	shalt  }
0x65: {  	_ =	shalt  }
0x66: {  	_ =	shalt  }
0x67: {  	_ =	shalt  }
0x68: {  	_ =	shalt  }
0x69: {  	_ =	shalt  }
0x6a: {  	_ =	shalt  }
0x6b: {  	_ =	shalt  }
0x6c: {  	_ =	shalt  }
0x6d: {  	_ =	shalt  }
0x6e: {  	_ =	shalt  }
0x6f: {  	_ =	shalt  }
0x70: {  	_ =	shalt  }
0x71: {  	_ =	shalt  }
0x72: {  	_ =	shalt  }
0x73: {  	_ =	shalt  }
0x74: {  	_ =	shalt  }
0x75: {  	_ =	shalt  }
0x76: {  	_ =	shalt  }
0x77: {  	_ =	shalt  }
0x78: {  	_ =	shalt  }
0x79: {  	_ =	shalt  }
0x7a: {  	_ =	shalt  }
0x7b: {  	_ =	shalt  }
0x7c: {  	_ =	shalt  }
0x7d: {  	_ =	shalt  }
0x7e: {  	_ =	shalt  }
0x7f: {  	_ =	shalt  }
0x80: {  	_ =	shalt  }
0x81: {  	_ =	shalt  }
0x82: {  	_ =	shalt  }
0x83: {  	_ =	shalt  }
0x84: {  	_ =	shalt  }
0x85: {  	_ =	shalt  }
0x86: {  	_ =	shalt  }
0x87: {  	_ =	shalt  }
.Lfunc_end0:
.L_simem_size_0:
called_computation_lowered:
.L_overlay_start_0:
0x88: {  	s2 =	sld [smem:$0x3FD9]  }
0x89: {  	s3 =	sld [smem:$0x3FFE];
	_ =	sdelay $0x1  }
0x8a: {  	s1 =	srdreg.scid  }
0x8b: {  	s0 =	sand.u32 $0x1, s1  }
0x8c: {  	s17 =	sshll.u32 s0, $0xA;
	s2 =	sadd.s32 s3, s2  }
0x8d: {  	s2 =	sadd.s32 s2, s17  }
0x8e: {  	[smem:$0x3FC5] =	sst s2  }
0x8f: {  	_ = 	snop  }
0x90: {  	s2 =	sld [smem:$0x3FC9]  }
0x91: {  	s18 =	sld [smem:$0x3FC8]  }
0x92: {  	s4 =	sld [smem:$0x3FC7];
	(tm) =	ssettm $0x1  }
0x93: {  	s5 =	sld [smem:$0x3FFB];
	_ =	sdelay $0x3  }
0x94: {  	_ =	strace s5  }
0x95: {  	s5 =	sld [smem:$0x3FFC];
	_ =	sdelay $0x3  }
0x96: {  	_ =	strace s5  }
0x97: {  	s5 =	sld [smem:$0x3FFD];
	_ =	sdelay $0x3  }
0x98: {  	_ =	strace s5  }
0x99: {  	_ =	strace $0x8FFFFFFF  }
0x9a: {  	s19 =	sld [smem:$0x3FDB];
	_ =	sdelay $0x1  }
0x9b: {  	s6 =	simm.s32 $_scs_section_size  }
0x9c: {  	s7 =	simm.s32 $_size__tile_overlayer_lowered;
	s8 =	simm.s32 $_tile_overlayer_lowered  }
0x9d: {  	s22 =	simm.s32 $0x1BFF;
	s21 =	sshll.u32 s8, $0x1;
	s5 =	sadd.s32 s6, s19  }
0x9e: {  	s9 =	simm.s32 $0x0;
	s20 =	sshll.u32 s7, $0x1;
	s7 =	sadd.s32 s21, s5  }
0x9f: {  	[timem:s9], [sflag:s22] =	dma.local [hbm:s7], s20  }
0xa0: {  	_ =	swait.ge [sflag:s22], s20  }
0xa1: {  	s6 =	ssub.s32 $0x0, s20;
	[sflag:s22] =	ssyncset.done $0x0  }
0xa2: {  	[sflag:s22] =	ssyncadd.s32 s6;
	_ =	sdelay $0x1  }
0xa3: {  	s23 =	simm.s32 $0x1B8B  }
0xa4: {  	_ =	swait.ge [sflag:s23], $0x1  }
0xa5: {  	[sflag:s23] =	ssyncset.done $0x0  }
0xa6: {  	s25 =	simm.s32 $0x1B8E;
	s24 =	sld [smem:$0x3FFE];
	[sflag:s23] =	ssyncadd.s32 $0xFFFFFFFF  }
0xa7: {  	s26 =	simm.s32 $execute0_lowered;
	[smem:$0x3FD2] =	sst s25  }
0xa8: {  	s7 =	sshll.u32 s26, $0x1;
	_ =	strace $0x80000046;
	[dreg:$0x1] =	wrdreg $0xFFFFFFFF  }
0xa9: {  	s28 =	simm.s32 $_size_execute0_lowered;
	s5 =	sadd.s32 s5, s7;
	[dreg:$0x0] =	wrdreg $0x0  }
0xaa: {  	s7 =	sshll.u32 s28, $0x1;
	[dreg:$0x2] =	wrdreg s5  }
0xab: {  	[dreg:$0x3] =	wrdreg s7  }
0xac: {  	[dreg:$0x4] =	wrdreg $0xC0  }
0xad: {  	_ =	task [dreg:s9], $0x5FFFF  }
0xae: {  	[dreg:$0x1] =	wrdreg $0xFFFFFFFF  }
0xaf: {  	[dreg:$0x0] =	wrdreg $0x60  }
0xb0: {  	[dreg:$0x2] =	wrdreg s2  }
0xb1: {  	[dreg:$0x3] =	wrdreg s18  }
0xb2: {  	[dreg:$0x4] =	wrdreg s4  }
0xb3: {  	[dreg:$0x5] =	wrdreg s24  }
0xb4: {  	[dreg:$0x6] =	wrdreg $0x1E7800  }
0xb5: {  	[dreg:$0x7] =	wrdreg $0x9  }
0xb6: {  	_ =	task.clear_ibuf [dreg:s9], $0x8FFFF;
	_ =	strace $0x90000046  }
0xb7: {  	s29 =	simm.s32 $0x9;
	_ =	strace $0x80000048  }
0xb8: {  	_ =	swait.ge [sflag:s29], $0x1  }
0xb9: {  	[sflag:s29] =	ssyncadd.s32 $0xFFFFFFFF  }
0xba: {  	_ =	strace $0x90000048  }
0xbb: {  	_ =	sfence  }
0xbc: {  	s30 =	sld [smem:$0x0];
	_ =	sdelay $0x2  }
0xbd: {  	s31 =	sshll.u32 s1, $0xD;
	s1 =	sshrl.u32 s1, $0x2  }
0xbe: {  	s3 =	sand.u32 $0x4000, s31;
	s1 =	sadd.s32 s1, s30  }
0xbf: {  	s0 =	sor.u32 s3, s0;
	s1 =	sshll.u32 s1, $0x11  }
0xc0: {  	s0 =	sor.u32 s1, s0  }
0xc1: {  	s0 =	sadd.s32 $0x8F2B, s0  }
0xc2: {  	[sflag:s0] =	ssyncadd.remote.s32 $0x1  }
0xc3: {  	_ =	sfence.sel $0xFFFF  }
0xc4: {  	[dreg:$0x0] =	wrdreg $0xFFFFFFFF;
	(pc) =	sbr.abs _section_cstart, $3  }
0xc5: {  	[dreg:$0x1] =	wrdreg $0xFFFFFFFF  }
0xc6: {  	_ =	task.clear_ibuf [dreg:s9], $0x2FFFF;
	_ =	strace $0x9FFFFFFF  }
0xc7: {  	(tm) =	ssettm $0x7FFFFFFF  }
tec
execute0_lowered:
.L_overlay_start_1:
0x0: {  	(tag) =	ssettag $0x1  }
0x1: {  	s0 =	rddreg [dreg:$0x1]  }
0x2: {  	s1 =	rddreg [dreg:$0x2]  }
0x3: {  	s14 =	rddreg [dreg:$0x3]  }
0x4: {  	s3 =	srdreg.scid;
	s19 =	stileid.u32;
	s20 =	simm.s32 $0x3  }
0x5: {  	s21 =	simm.s32 $0x2;
	s23 =	simm.s32 $0x4;
	s24 =	simm.s32 $0x0  }
0x6: {  	s4 =	sand.u32 $0x1, s3;
	s5 =	sshll.u32 s19, $0x1;
	s3 =	simm.s32 $0x0  }
0x7: {  	s26 =	sshrl.u32 s19, $0x1;
	s12 =	sadd.s32 $0x1000, s0;
	s13 =	sadd.s32 $0x2000, s0  }
0x8: {  	s17 =	sadd.s32 $0x3000, s0;
	p0 =	sne.s32 s19, $0x0;
	s19 =	simm.s32 $0x1  }
0x9: {  	s15 =	sor.u32 s4, s5;
	[smem:$0x7FF] =	sst s3;
	s8 =	smul.u32 $0xC3800, s26  }
0xa: {  	s4 =	ssub.s32 $0x2, s4;
	s10 =	sshll.u32 s26, $0x11;
	s6 =	sshll.u32 s15, $0x8  }
0xb: {  	_ =	strace $0x80000047;
	s28 =	sshrl.u32 s4, $0x1;
	s31 =	sshll.u32 s15, $0x4  }
0xc: {  	s9 =	sand.u32 $0x300, s6;
	s16 =	ssub.s32 s4, s28;
	s14 =	sadd.s32 s14, s31  }
0xd: {  	s6 =	sor.u32 s8, s9;
	s7 =	sor.u32 s10, s9;
	s9 =	sor.u32 $0x80, s9  }
0xe: {  	s15 =	smax.u32 s16, $0x1;
	s6 =	sshrl.u32 s6, $0x3;
	s11 =	sshrl.u32 s7, $0x3  }
0xf: {  	s10 =	sor.u32 s10, s9;
	s9 =	sor.u32 s8, s9;
	s2 =	sadd.s32 s1, s6  }
0x10: {  	s5 =	sadd.s32 s0, s11;
	s6 =	sadd.s32 s11, s12;
	s7 =	sadd.s32 s11, s13  }
0x11: {  	s8 =	sadd.s32 s11, s17;
	s18 =	sshrl.u32 s10, $0x3;
	s29 =	sshrl.u32 s9, $0x3  }
0x12: {  	s11 =	simm.s32 $0x80;
	[dreg:$0x6] =	wrdreg s2;
	s9 =	sadd.s32 s0, s18  }
0x13: {  	s10 =	sadd.s32 s18, s12;
	s30 =	sadd.s32 s1, s29;
	s12 =	sadd.s32 s18, s13  }
0x14: {  	s13 =	sadd.s32 s18, s17;
	s18 =	simm.s32 $0x4000;
	[dreg:$0x7] =	wrdreg s30  }
.LBB2_1:
0x15: {  	s0 =	rddreg [dreg:$0x6];
	s1 =	simm.s32 $0x400;
	s26 =	sadd.s32 $0x0, s5  }
0x16: {  	[tilespmem:s18], [sflag:$0x1] =	stream.strided.gather [hbm4b:s0+s11], $0x18700, s1, s11, $0x38;
	[tilespmem:$0x1EB80] =	vst v63  }
0x17: {  	s25 =	simm.s32 $0x1C800;
	s0 =	simm.s32 $0x1C700;
	s1 =	simm.s32 $0x80  }
.LBB2_2:
0x18: {  	[tilespmem:s0], [sflag:$0x2] =	stream.linear.gather [hbm4b:s26+s3], $0x80, $0x38;
	[tilespmem:$0x1EB80] =	vst v63  }
0x19: {  	s26 =	smov.u32 s1;
	s0 =	smov.u32 s25;
	p1 =	sne.s32 s1, $0xF80  }
.Ltmp0:
0x1a: {  	s1 =	sadd.s32 $0x80, s1;
	(pc) =	sbr.rel @p1 .LBB2_2-.Ltmp0, $2  }
0x1b: {  	_ =	sdelay $0x2  }
0x1c: {  	s25 =	sadd.s32 $0x100, s25;
	s26 =	sadd.s32 s26, s5  }
0x1d: {  	[tilespmem:s0], [sflag:$0x2] =	stream.linear.gather [hbm4b:s26+s3], $0x80, $0x38;
	[tilespmem:$0x1EB80] =	vst v63  }
0x1e: {  	s0 =	simm.s32 $0x1C780  }
0x1f: {  	s1 =	simm.s32 $0x80;
	s26 =	sadd.s32 $0x0, s6;
	s25 =	simm.s32 $0x1C880  }
.LBB2_4:
0x20: {  	[tilespmem:s0], [sflag:$0x2] =	stream.linear.gather [hbm4b:s26+s3], $0x80, $0x38;
	[tilespmem:$0x1EB80] =	vst v63  }
0x21: {  	s26 =	smov.u32 s1;
	s0 =	smov.u32 s25;
	p1 =	sne.s32 s1, $0xF80  }
.Ltmp1:
0x22: {  	s1 =	sadd.s32 $0x80, s1;
	(pc) =	sbr.rel @p1 .LBB2_4-.Ltmp1, $2  }
0x23: {  	_ =	sdelay $0x2  }
0x24: {  	s25 =	sadd.s32 $0x100, s25;
	s26 =	sadd.s32 s26, s6  }
0x25: {  	[tilespmem:s0], [sflag:$0x2] =	stream.linear.gather [hbm4b:s26+s3], $0x80, $0x38;
	[tilespmem:$0x1EB80] =	vst v63  }
0x26: {  	s4 =	rddreg [dreg:$0x4]  }
0x27: {  	s1 =	simm.s32 @!p0 $0x1C04;
	s2 =	rddreg [dreg:$0x0];
	s0 =	sshrl.u32 @!p0 s4, $0x3  }
0x28: {  	[spmem:s0], [sflag:s1] =	dma.local @!p0 [hbm:s2], $0x800  }
0x29: {  	s0 =	simm.s32 @!p0 $0x4  }
0x2a: {  	_ =	swait.ge @!p0 [sflag:s0], $0x800  }
0x2b: {  	[sflag:s0] =	ssyncset.done @!p0 $0x0  }
0x2c: {  	[sflag:s0] =	ssyncadd.s32 @!p0 $0xFFFFF800  }
0x2d: {  	s2 =	simm.s32 $0x0;
	[bflag:$0x0] =	sbarrier.arrive $0xFFFF  }
0x2e: {  	[tilespmem:s2], [sflag:$0x3] =	stream.linear.gather [spmem:s4], $0x4000, $0x38;
	[tilespmem:$0x1EB80] =	vst v63  }
0x2f: {  	_ =	swait.ge [sflag:s19], $0x18700  }
0x30: {  	[sflag:s19] =	ssyncset.done $0x0  }
0x31: {  	[sflag:s19] =	ssyncadd.s32 $0xFFFE7900  }
0x32: {  	_ =	swait.ge [sflag:s20], $0x4000  }
0x33: {  	[sflag:s20] =	ssyncset.done $0x0  }
0x34: {  	[sflag:s20] =	ssyncadd.s32 $0xFFFFC000  }
0x35: {  	_ =	swait.ge [sflag:s21], $0x1000  }
0x36: {  	s1 =	sand.u32 $0x40, s2;
	[sflag:s21] =	ssyncset.done $0x0  }
0x37: {  	s25 =	sand.u32 $0xF80, s2;
	s4 =	sor.u32 $0x30, s1;
	[sflag:s21] =	ssyncadd.s32 $0xFFFFF000  }
0x38: {  	s29 =	sor.u32 $0x10, s1;
	s28 =	sor.u32 s4, s25;
	v0 =	vld [tilespmem:s2+$0x0]  }
0x39: {  	s30 =	sor.u32 s29, s25;
	v1 =	vld [tilespmem:s28+$0x0];
	s28 =	sor.u32 $0x20, s1  }
0x3a: {  	s0 =	sand.u32 $0x1F00, s2;
	v2 =	vld [tilespmem:s30+$0x0];
	s25 =	sor.u32 s28, s25  }
0x3b: {  	s16 =	simm.s32 $0x40;
	s0 =	sadd.s32 $0x1C700, s0;
	v3 =	vld [tilespmem:s25+$0x0]  }
0x3c: {  	s26 =	sor.u32 s4, s0;
	v4 =	vld [tilespmem:s16+$0x0]  }
0x3d: {  	s30 =	sand.u32 $0x40, s16;
	v5 =	vld [tilespmem:s26+$0x0];
	s1 =	sor.u32 s1, s0  }
0x3e: {  	s22 =	sor.u32 $0x10, s30;
	v12 =	vld [tilespmem:s1+$0x0];
	s25 =	sand.u32 $0xF80, s16;
	s16 =	sor.u32 s29, s0  }
0x3f: {  	s17 =	sor.u32 s22, s25;
	v14 =	vld [tilespmem:s16+$0x0]  }
0x40: {  	v8 =	vld [tilespmem:s17+$0x0]  }
0x41: {  	v11 =	vld.idx.msk [tilespmem:v0+s18+$0x0], $0xffff  }
0x42: {  	s26 =	sor.u32 $0x30, s30;
	v1 =	vld.idx.msk [tilespmem:v1+s18+$0x0], $0xffff  }
0x43: {  	s2 =	sor.u32 $0x20, s30;
	s31 =	sor.u32 s26, s25;
	v0 =	vld.idx.msk [tilespmem:v3+s18+$0x0], $0xffff  }
0x44: {  	s25 =	sor.u32 s2, s25;
	v3 =	vld [tilespmem:s31+$0x0]  }
0x45: {  	v6 =	vld [tilespmem:s25+$0x0]  }
0x46: {  	v13 =	vld.idx.msk [tilespmem:v2+s18+$0x0], $0xffff  }
0x47: {  	s0 =	sor.u32 s28, s0;
	s25 =	simm.s32 $0x80  }
0x48: {  	v9 =	vld [tilespmem:s0+$0x0];
	s17 =	sand.u32 $0x1F00, s25;
	s31 =	simm.s32 $0x80;
	v1 =	vsub.f32 v5, v1  }
0x49: {  	s0 =	sadd.s32 $0x1C700, s17;
	v10 =	vld [tilespmem:s31+$0x0]  }
0x4a: {  	s29 =	sor.u32 s22, s0;
	s22 =	sor.u32 s26, s0;
	v5 =	vld.idx.msk [tilespmem:v4+s18+$0x0], $0xffff;
	v1 =	vmul.f32 v1, v1  }
0x4b: {  	s28 =	sor.u32 s30, s0;
	s30 =	simm.s32 $0xC0;
	v2 =	vimm.f32 $0.0e+00;
	v12 =	vsub.f32 v12, v11;
	v11 =	vld [tilespmem:s22+$0x0];
	v13 =	vsub.f32 v14, v13  }
0x4c: {  	s1 =	sor.u32 s2, s0;
	s0 =	simm.s32 $0x80;
	s26 =	sand.u32 $0x40, s31;
	v4 =	vimm.f32 $0.0e+00;
	v1 =	vadd.f32 v1, v2;
	v7 =	vld.idx.msk [tilespmem:v3+s18+$0x0], $0xffff;
	v3 =	vimm.f32 $0.0e+00  }
.LBB2_6:
0x4d: {  	p1 =	sne.s32 s30, $0xFC0;
	s2 =	sand.u32 $0xF80, s31;
	s4 =	sor.u32 $0x30, s26;
	v14 =	vld.idx.msk [tilespmem:v8+s18+$0x0], $0xffff;
	v8 =	vmul.f32 v12, v12;
	v9 =	vsub.f32 v9, v0  }
0x4e: {  	s22 =	sor.u32 $0x10, s26;
	s16 =	sor.u32 $0x20, s26;
	s31 =	sor.u32 s4, s2;
	v0 =	vld.idx.msk [tilespmem:v6+s18+$0x0], $0xffff;
	v6 =	vmul.f32 v13, v13;
	v12 =	vmov v10  }
0x4f: {  	s17 =	sor.u32 s22, s2;
	s2 =	sor.u32 s16, s2;
	v13 =	vld [tilespmem:s31+$0x0];
	v2 =	vadd.f32 v8, v2;
	v9 =	vmul.f32 v9, v9;
	s31 =	smov.u32 s30  }
0x50: {  	v15 =	vmov v5;
	v8 =	vld [tilespmem:s17+$0x0];
	v3 =	vadd.f32 v6, v3  }
0x51: {  	v6 =	vld [tilespmem:s2+$0x0];
	v5 =	vsub.f32 v11, v7;
	v4 =	vadd.f32 v9, v4  }
0x52: {  	v11 =	vld [tilespmem:s28+$0x0]  }
0x53: {  	v16 =	vld [tilespmem:s29+$0x0];
	v5 =	vmul.f32 v5, v5  }
.Ltmp2:
0x54: {  	s0 =	sadd.s32 $0x40, s0;
	s25 =	sadd.s32 $0x80, s25;
	v9 =	vld [tilespmem:s1+$0x0];
	(pc) =	sbr.rel @p1 .LBB2_6-.Ltmp2, $4  }
0x55: {  	s1 =	sand.u32 $0x1F00, s25;
	v10 =	vld [tilespmem:s0+$0x0];
	v1 =	vadd.f32 v5, v1  }
0x56: {  	s1 =	sadd.s32 $0x1C700, s1;
	v5 =	vld.idx.msk [tilespmem:v12+s18+$0x0], $0xffff  }
0x57: {  	s28 =	sor.u32 s26, s1;
	s29 =	sor.u32 s22, s1;
	s2 =	sor.u32 s4, s1;
	v7 =	vld.idx.msk [tilespmem:v13+s18+$0x0], $0xffff;
	v12 =	vsub.f32 v11, v15  }
0x58: {  	s30 =	sadd.s32 $0x40, s30;
	s26 =	sand.u32 $0x40, s31;
	s1 =	sor.u32 s16, s1;
	v11 =	vld [tilespmem:s2+$0x0];
	v13 =	vsub.f32 v16, v14  }
0x59: {  	_ =	sdelay $0x3  }
0x5a: {  	v8 =	vld.idx.msk [tilespmem:v8+s18+$0x0], $0xffff  }
0x5b: {  	v6 =	vld.idx.msk [tilespmem:v6+s18+$0x0], $0xffff  }
0x5c: {  	s0 =	sand.u32 $0xF80, s31;
	s2 =	sor.u32 $0x30, s26;
	v17 =	vld [tilespmem:s28+$0x0]  }
0x5d: {  	s16 =	sor.u32 $0x10, s26;
	v18 =	vld [tilespmem:s29+$0x0];
	s4 =	sor.u32 s2, s0  }
0x5e: {  	s22 =	sor.u32 $0x20, s26;
	s17 =	sor.u32 s16, s0;
	v14 =	vld [tilespmem:s4+$0x0]  }
0x5f: {  	s28 =	sadd.s32 $0x80, s25;
	s0 =	sor.u32 s22, s0;
	v15 =	vld [tilespmem:s17+$0x0]  }
0x60: {  	v16 =	vld [tilespmem:s0+$0x0];
	s0 =	sand.u32 $0x1F00, s28  }
0x61: {  	v19 =	vld [tilespmem:s1+$0x0];
	s0 =	sadd.s32 $0x1C700, s0  }
0x62: {  	v10 =	vld.idx.msk [tilespmem:v10+s18+$0x0], $0xffff;
	s29 =	sor.u32 s2, s0  }
0x63: {  	s30 =	sor.u32 s26, s0;
	v20 =	vld [tilespmem:s29+$0x0]  }
0x64: {  	s31 =	sor.u32 s16, s0;
	v57 =	vld [tilespmem:s30+$0x0]  }
0x65: {  	s0 =	sor.u32 s22, s0;
	v58 =	vld [tilespmem:s31+$0x0]  }
0x66: {  	v0 =	vsub.f32 v9, v0;
	v59 =	vld [tilespmem:s0+$0x0]  }
0x67: {  	v12 =	vmul.f32 v12, v12;
	v13 =	vmul.f32 v13, v13;
	v14 =	vld.idx.msk [tilespmem:v14+s18+$0x0], $0xffff  }
0x68: {  	v0 =	vmul.f32 v0, v0;
	v7 =	vsub.f32 v11, v7;
	v5 =	vsub.f32 v17, v5;
	v15 =	vld.idx.msk [tilespmem:v15+s18+$0x0], $0xffff  }
0x69: {  	v2 =	vadd.f32 v12, v2;
	v3 =	vadd.f32 v13, v3;
	v56 =	vld.idx.msk [tilespmem:v16+s18+$0x0], $0xffff  }
0x6a: {  	v0 =	vadd.f32 v0, v4;
	v7 =	vmul.f32 v7, v7;
	v4 =	vmul.f32 v5, v5  }
0x6b: {  	v6 =	vsub.f32 v19, v6;
	v5 =	vsub.f32 v18, v8  }
0x6c: {  	v1 =	vadd.f32 v7, v1;
	v2 =	vadd.f32 v4, v2  }
0x6d: {  	v4 =	vmul.f32 v5, v5;
	v60 =	vsub.f32 v57, v10;
	v5 =	vsub.f32 v20, v14  }
0x6e: {  	v6 =	vmul.f32 v6, v6;
	v61 =	vsub.f32 v58, v15;
	v9 =	vsub.f32 v59, v56  }
0x6f: {  	v3 =	vadd.f32 v4, v3;
	v4 =	vmul.f32 v5, v5;
	v5 =	vmul.f32 v60, v60  }
0x70: {  	v6 =	vadd.f32 v6, v0;
	v62 =	vmul.f32 v61, v61;
	v63 =	vmul.f32 v9, v9  }
0x71: {  	s1 =	simm.s32 $0x80;
	v0 =	vadd.f32 v4, v1;
	v2 =	vadd.f32 v5, v2  }
0x72: {  	s25 =	simm.s32 $0x1C800;
	s26 =	sadd.s32 $0x0, s7;
	s0 =	simm.s32 $0x1C700;
	v3 =	vadd.f32 v62, v3;
	v1 =	vadd.f32 v63, v6  }
.LBB2_8:
0x73: {  	[tilespmem:s0], [sflag:$0x2] =	stream.linear.gather [hbm4b:s26+s3], $0x80, $0x38;
	[tilespmem:$0x1EB80] =	vst v63  }
0x74: {  	s2 =	smov.u32 s1;
	s0 =	smov.u32 s25;
	p1 =	sne.s32 s1, $0xF80  }
.Ltmp3:
0x75: {  	s1 =	sadd.s32 $0x80, s1;
	(pc) =	sbr.rel @p1 .LBB2_8-.Ltmp3, $2  }
0x76: {  	_ =	sdelay $0x2  }
0x77: {  	s25 =	sadd.s32 $0x100, s25;
	s26 =	sadd.s32 s2, s7  }
0x78: {  	[tilespmem:s0], [sflag:$0x2] =	stream.linear.gather [hbm4b:s26+s3], $0x80, $0x38;
	[tilespmem:$0x1EB80] =	vst v63  }
0x79: {  	_ =	swait.ge [sflag:s21], $0x1000  }
0x7a: {  	[sflag:s21] =	ssyncset.done $0x0  }
0x7b: {  	s30 =	simm.s32 $0x1030;
	[sflag:s21] =	ssyncadd.s32 $0xFFFFF000  }
0x7c: {  	s25 =	simm.s32 $0x0;
	v4 =	vld [tilespmem:s30+$0xFFFFFFE0]  }
0x7d: {  	s31 =	sand.u32 $0xFC0, s25;
	v10 =	vld [tilespmem:s30+$0x0]  }
0x7e: {  	p1 =	por $0x0, $0x0;
	s0 =	simm.s32 $0x1;
	v11 =	vld [tilespmem:s31+$0x1000]  }
0x7f: {  	s26 =	simm.s32 $0x1070;
	s0 =	simm.s32 @!p1 $0x0;
	v5 =	vld [tilespmem:s30+$0xFFFFFFF0]  }
0x80: {  	s0 =	sshll.u32 s0, $0x6;
	v8 =	vld [tilespmem:s26+$0xFFFFFFE0]  }
0x81: {  	s0 =	sadd.s32 $0x0, s0;
	v9 =	vld [tilespmem:s26+$0xFFFFFFF0]  }
0x82: {  	v7 =	vld [tilespmem:s26+$0x0];
	s2 =	sor.u32 $0x90, s0  }
0x83: {  	v13 =	vld [tilespmem:s2+$0x1C700]  }
0x84: {  	v6 =	vld.idx.msk [tilespmem:v4+s18+$0x0], $0xffff  }
0x85: {  	v4 =	vld.idx.msk [tilespmem:v10+s18+$0x0], $0xffff  }
0x86: {  	s1 =	sor.u32 $0x80, s0;
	v10 =	vld.idx.msk [tilespmem:v11+s18+$0x0], $0xffff  }
0x87: {  	s16 =	sor.u32 $0xA0, s0;
	v11 =	vld [tilespmem:s1+$0x1C700]  }
0x88: {  	s4 =	simm.s32 $0x40;
	v12 =	vld [tilespmem:s16+$0x1C700]  }
0x89: {  	s28 =	sand.u32 $0xFC0, s4;
	v5 =	vld.idx.msk [tilespmem:v5+s18+$0x0], $0xffff;
	s1 =	sor.u32 $0xB0, s0;
	s0 =	simm.s32 $0x80  }
.LBB2_10:
0x8a: {  	p2 =	sne.s32 s0, $0xFC0;
	v14 =	vld [tilespmem:s28+$0x1000]  }
0x8b: {  	s26 =	sadd.s32 $0x40, s26;
	v15 =	vld [tilespmem:s1+$0x1C700]  }
0x8c: {  	v16 =	vld [tilespmem:s26+$0xFFFFFFE0];
	v10 =	vsub.f32 v11, v10  }
0x8d: {  	v11 =	vld [tilespmem:s26+$0xFFFFFFF0];
	v13 =	vsub.f32 v13, v6  }
0x8e: {  	p1 =	por !p1, !p1;
	s1 =	simm.s32 $0x1;
	v17 =	vld [tilespmem:s26+$0x0];
	v10 =	vmul.f32 v10, v10;
	v12 =	vsub.f32 v12, v5  }
0x8f: {  	s1 =	simm.s32 @!p1 $0x0;
	v6 =	vld.idx.msk [tilespmem:v8+s18+$0x0], $0xffff;
	v13 =	vmul.f32 v13, v13  }
0x90: {  	s25 =	sadd.s32 $0x80, s25;
	s1 =	sshll.u32 s1, $0x6;
	v5 =	vld.idx.msk [tilespmem:v9+s18+$0x0], $0xffff;
	v2 =	vadd.f32 v10, v2;
	v18 =	vmul.f32 v12, v12;
	v12 =	vsub.f32 v15, v4  }
.Ltmp4:
0x91: {  	s1 =	sadd.s32 s1, s25;
	v4 =	vld.idx.msk [tilespmem:v7+s18+$0x0], $0xffff;
	v3 =	vadd.f32 v13, v3;
	v8 =	vmov v16;
	(pc) =	sbr.rel @p2 .LBB2_10-.Ltmp4, $4  }
0x92: {  	s2 =	sor.u32 $0x80, s1;
	s4 =	sor.u32 $0x90, s1;
	s16 =	sor.u32 $0xA0, s1;
	v10 =	vld.idx.msk [tilespmem:v14+s18+$0x0], $0xffff;
	v1 =	vadd.f32 v18, v1;
	v12 =	vmul.f32 v12, v12;
	v9 =	vmov v11  }
0x93: {  	s1 =	sor.u32 $0xB0, s1;
	v11 =	vld [tilespmem:s2+$0x1C700];
	v7 =	vmov v17  }
0x94: {  	v13 =	vld [tilespmem:s4+$0x1C700];
	v0 =	vadd.f32 v12, v0  }
0x95: {  	s28 =	sand.u32 $0xFC0, s0;
	s0 =	sadd.s32 $0x40, s0;
	v12 =	vld [tilespmem:s16+$0x1C700]  }
0x96: {  	_ =	sdelay $0x1  }
0x97: {  	v14 =	vld [tilespmem:s28+$0x1000];
	p1 =	por !p1, !p1;
	s0 =	simm.s32 $0x1  }
0x98: {  	v15 =	vld [tilespmem:s1+$0x1C700];
	s0 =	simm.s32 @!p1 $0x0  }
0x99: {  	v8 =	vld.idx.msk [tilespmem:v8+s18+$0x0], $0xffff;
	s30 =	sadd.s32 $0x80, s25;
	s0 =	sshll.u32 s0, $0x6  }
0x9a: {  	v9 =	vld.idx.msk [tilespmem:v9+s18+$0x0], $0xffff;
	s0 =	sadd.s32 s0, s30  }
0x9b: {  	v7 =	vld.idx.msk [tilespmem:v7+s18+$0x0], $0xffff;
	s1 =	sor.u32 $0x80, s0  }
0x9c: {  	s2 =	sor.u32 $0x90, s0;
	v16 =	vld [tilespmem:s1+$0x1C700]  }
0x9d: {  	v6 =	vsub.f32 v13, v6;
	s31 =	sor.u32 $0xA0, s0;
	v62 =	vld [tilespmem:s2+$0x1C700]  }
0x9e: {  	s0 =	sor.u32 $0xB0, s0;
	v63 =	vld [tilespmem:s31+$0x1C700]  }
0x9f: {  	v5 =	vsub.f32 v12, v5;
	v17 =	vld [tilespmem:s0+$0x1C700];
	v6 =	vmul.f32 v6, v6  }
0xa0: {  	v14 =	vld.idx.msk [tilespmem:v14+s18+$0x0], $0xffff  }
0xa1: {  	v6 =	vadd.f32 v6, v3;
	v3 =	vmul.f32 v5, v5  }
0xa2: {  	v4 =	vsub.f32 v15, v4  }
0xa3: {  	v10 =	vsub.f32 v11, v10;
	v1 =	vadd.f32 v3, v1  }
0xa4: {  	v4 =	vmul.f32 v4, v4;
	v9 =	vsub.f32 v63, v9;
	v7 =	vsub.f32 v17, v7  }
0xa5: {  	v10 =	vmul.f32 v10, v10;
	v8 =	vsub.f32 v62, v8;
	v5 =	vsub.f32 v16, v14  }
0xa6: {  	v0 =	vadd.f32 v4, v0;
	v4 =	vmul.f32 v9, v9;
	v7 =	vmul.f32 v7, v7  }
0xa7: {  	v2 =	vadd.f32 v10, v2;
	v3 =	vmul.f32 v5, v5;
	v5 =	vmul.f32 v8, v8  }
0xa8: {  	s26 =	sadd.s32 $0x0, s8;
	v1 =	vadd.f32 v4, v1;
	v0 =	vadd.f32 v7, v0  }
0xa9: {  	s25 =	simm.s32 $0x1C880;
	s0 =	simm.s32 $0x1C780;
	s1 =	simm.s32 $0x80;
	v3 =	vadd.f32 v3, v2;
	v2 =	vadd.f32 v5, v6  }
.LBB2_12:
0xaa: {  	[tilespmem:s0], [sflag:$0x2] =	stream.linear.gather [hbm4b:s26+s3], $0x80, $0x38;
	[tilespmem:$0x1EB80] =	vst v63  }
0xab: {  	s2 =	smov.u32 s1;
	s0 =	smov.u32 s25;
	p1 =	sne.s32 s1, $0xF80  }
.Ltmp5:
0xac: {  	s1 =	sadd.s32 $0x80, s1;
	(pc) =	sbr.rel @p1 .LBB2_12-.Ltmp5, $2  }
0xad: {  	_ =	sdelay $0x2  }
0xae: {  	s25 =	sadd.s32 $0x100, s25;
	s26 =	sadd.s32 s2, s8  }
0xaf: {  	[tilespmem:s0], [sflag:$0x2] =	stream.linear.gather [hbm4b:s26+s3], $0x80, $0x38;
	[tilespmem:$0x1EB80] =	vst v63  }
0xb0: {  	_ =	swait.ge [sflag:s21], $0x1000  }
0xb1: {  	[sflag:s21] =	ssyncset.done $0x0  }
0xb2: {  	s26 =	simm.s32 $0x2030;
	[sflag:s21] =	ssyncadd.s32 $0xFFFFF000  }
0xb3: {  	v4 =	vld [tilespmem:s26+$0xFFFFFFE0]  }
0xb4: {  	s25 =	simm.s32 $0x0;
	v5 =	vld [tilespmem:s26+$0xFFFFFFF0]  }
0xb5: {  	s30 =	sand.u32 $0xFC0, s25;
	s31 =	sand.u32 $0x40, s25;
	s1 =	sand.u32 $0x1F00, s25;
	v10 =	vld [tilespmem:s26+$0x0]  }
0xb6: {  	s0 =	sor.u32 s31, s1;
	v11 =	vld [tilespmem:s30+$0x2000]  }
0xb7: {  	s28 =	sadd.s32 $0x1C700, s0;
	v12 =	vld [tilespmem:s0+$0x1C700]  }
0xb8: {  	s26 =	simm.s32 $0x2070;
	v13 =	vld [tilespmem:s28+$0x10]  }
0xb9: {  	v8 =	vld [tilespmem:s26+$0xFFFFFFE0]  }
0xba: {  	v9 =	vld [tilespmem:s26+$0xFFFFFFF0]  }
0xbb: {  	v6 =	vld.idx.msk [tilespmem:v4+s18+$0x0], $0xffff  }
0xbc: {  	v4 =	vld.idx.msk [tilespmem:v5+s18+$0x0], $0xffff  }
0xbd: {  	v5 =	vld.idx.msk [tilespmem:v10+s18+$0x0], $0xffff  }
0xbe: {  	v10 =	vld.idx.msk [tilespmem:v11+s18+$0x0], $0xffff  }
0xbf: {  	s1 =	simm.s32 $0x40;
	v7 =	vld [tilespmem:s26+$0x0]  }
0xc0: {  	s29 =	sand.u32 $0xFC0, s1;
	s0 =	simm.s32 $0x80;
	v11 =	vld [tilespmem:s28+$0x20]  }
.LBB2_14:
0xc1: {  	p1 =	sne.s32 s0, $0xFC0;
	v14 =	vld [tilespmem:s29+$0x2000]  }
0xc2: {  	s26 =	sadd.s32 $0x40, s26;
	v15 =	vld [tilespmem:s28+$0x30]  }
0xc3: {  	v16 =	vld [tilespmem:s26+$0xFFFFFFE0];
	v10 =	vsub.f32 v12, v10  }
0xc4: {  	v12 =	vld [tilespmem:s26+$0xFFFFFFF0];
	v13 =	vsub.f32 v13, v6  }
0xc5: {  	v17 =	vld [tilespmem:s26+$0x0];
	v10 =	vmul.f32 v10, v10;
	v11 =	vsub.f32 v11, v4  }
0xc6: {  	v6 =	vld.idx.msk [tilespmem:v8+s18+$0x0], $0xffff;
	v13 =	vmul.f32 v13, v13  }
0xc7: {  	s25 =	sadd.s32 $0x80, s25;
	v4 =	vld.idx.msk [tilespmem:v9+s18+$0x0], $0xffff;
	v3 =	vadd.f32 v10, v3;
	v18 =	vmul.f32 v11, v11;
	v11 =	vsub.f32 v15, v5  }
.Ltmp6:
0xc8: {  	s1 =	sand.u32 $0x40, s1;
	s2 =	sand.u32 $0x1F00, s25;
	v5 =	vld.idx.msk [tilespmem:v7+s18+$0x0], $0xffff;
	v2 =	vadd.f32 v13, v2;
	v8 =	vmov v16;
	(pc) =	sbr.rel @p1 .LBB2_14-.Ltmp6, $4  }
0xc9: {  	s2 =	sor.u32 s1, s2;
	s1 =	smov.u32 s0;
	v10 =	vld.idx.msk [tilespmem:v14+s18+$0x0], $0xffff;
	v1 =	vadd.f32 v18, v1;
	v11 =	vmul.f32 v11, v11;
	v9 =	vmov v12  }
0xca: {  	s28 =	sadd.s32 $0x1C700, s2;
	v12 =	vld [tilespmem:s2+$0x1C700];
	v7 =	vmov v17  }
0xcb: {  	v13 =	vld [tilespmem:s28+$0x10];
	v0 =	vadd.f32 v11, v0  }
0xcc: {  	s0 =	sadd.s32 $0x40, s0;
	s29 =	sand.u32 $0xFC0, s1;
	v11 =	vld [tilespmem:s28+$0x20]  }
0xcd: {  	_ =	sdelay $0x1  }
0xce: {  	v14 =	vld [tilespmem:s29+$0x2000]  }
0xcf: {  	v15 =	vld [tilespmem:s28+$0x30]  }
0xd0: {  	v8 =	vld.idx.msk [tilespmem:v8+s18+$0x0], $0xffff;
	s0 =	sadd.s32 $0x80, s25  }
0xd1: {  	v9 =	vld.idx.msk [tilespmem:v9+s18+$0x0], $0xffff;
	s1 =	sand.u32 $0x40, s1;
	s0 =	sand.u32 $0x1F00, s0  }
0xd2: {  	v7 =	vld.idx.msk [tilespmem:v7+s18+$0x0], $0xffff;
	s0 =	sor.u32 s1, s0  }
0xd3: {  	s1 =	sadd.s32 $0x1C700, s0;
	v16 =	vld [tilespmem:s0+$0x1C700]  }
0xd4: {  	v60 =	vld [tilespmem:s1+$0x10]  }
0xd5: {  	v61 =	vld [tilespmem:s1+$0x20]  }
0xd6: {  	v6 =	vsub.f32 v13, v6;
	v17 =	vld [tilespmem:s1+$0x30];
	v4 =	vsub.f32 v11, v4  }
0xd7: {  	v14 =	vld.idx.msk [tilespmem:v14+s18+$0x0], $0xffff  }
0xd8: {  	v6 =	vmul.f32 v6, v6;
	v4 =	vmul.f32 v4, v4  }
0xd9: {  	v10 =	vsub.f32 v12, v10;
	v5 =	vsub.f32 v15, v5  }
0xda: {  	v2 =	vadd.f32 v6, v2;
	v1 =	vadd.f32 v4, v1  }
0xdb: {  	v5 =	vmul.f32 v5, v5;
	v8 =	vsub.f32 v60, v8;
	v9 =	vsub.f32 v61, v9  }
0xdc: {  	v10 =	vmul.f32 v10, v10;
	v7 =	vsub.f32 v17, v7;
	v62 =	vsub.f32 v16, v14  }
0xdd: {  	v0 =	vadd.f32 v5, v0;
	v63 =	vmul.f32 v8, v8;
	v5 =	vmul.f32 v9, v9  }
0xde: {  	v3 =	vadd.f32 v10, v3;
	v7 =	vmul.f32 v7, v7;
	v4 =	vmul.f32 v62, v62  }
0xdf: {  	s26 =	sadd.s32 $0x0, s9;
	v2 =	vadd.f32 v63, v2;
	v1 =	vadd.f32 v5, v1  }
0xe0: {  	s25 =	simm.s32 $0x1C800;
	s0 =	simm.s32 $0x1C700;
	s1 =	simm.s32 $0x80;
	v0 =	vadd.f32 v7, v0;
	v3 =	vadd.f32 v4, v3  }
.LBB2_16:
0xe1: {  	[tilespmem:s0], [sflag:$0x2] =	stream.linear.gather [hbm4b:s26+s3], $0x80, $0x38;
	[tilespmem:$0x1EB80] =	vst v63  }
0xe2: {  	s2 =	smov.u32 s1;
	s0 =	smov.u32 s25;
	p1 =	sne.s32 s1, $0xF80  }
.Ltmp7:
0xe3: {  	s1 =	sadd.s32 $0x80, s1;
	(pc) =	sbr.rel @p1 .LBB2_16-.Ltmp7, $2  }
0xe4: {  	_ =	sdelay $0x2  }
0xe5: {  	s25 =	sadd.s32 $0x100, s25;
	s26 =	sadd.s32 s2, s9  }
0xe6: {  	[tilespmem:s0], [sflag:$0x2] =	stream.linear.gather [hbm4b:s26+s3], $0x80, $0x38;
	[tilespmem:$0x1EB80] =	vst v63  }
0xe7: {  	_ =	swait.ge [sflag:s21], $0x1000  }
0xe8: {  	[sflag:s21] =	ssyncset.done $0x0  }
0xe9: {  	s30 =	simm.s32 $0x3030;
	[sflag:s21] =	ssyncadd.s32 $0xFFFFF000  }
0xea: {  	s25 =	simm.s32 $0x0;
	v4 =	vld [tilespmem:s30+$0xFFFFFFE0]  }
0xeb: {  	s31 =	sand.u32 $0xFC0, s25;
	v10 =	vld [tilespmem:s30+$0x0]  }
0xec: {  	p1 =	por $0x0, $0x0;
	s0 =	simm.s32 $0x1;
	v11 =	vld [tilespmem:s31+$0x3000]  }
0xed: {  	s26 =	simm.s32 $0x3070;
	s0 =	simm.s32 @!p1 $0x0;
	v5 =	vld [tilespmem:s30+$0xFFFFFFF0]  }
0xee: {  	s0 =	sshll.u32 s0, $0x6;
	v8 =	vld [tilespmem:s26+$0xFFFFFFE0]  }
0xef: {  	s0 =	sadd.s32 $0x0, s0;
	v9 =	vld [tilespmem:s26+$0xFFFFFFF0]  }
0xf0: {  	v7 =	vld [tilespmem:s26+$0x0];
	s2 =	sor.u32 $0x90, s0  }
0xf1: {  	v13 =	vld [tilespmem:s2+$0x1C700]  }
0xf2: {  	v6 =	vld.idx.msk [tilespmem:v4+s18+$0x0], $0xffff  }
0xf3: {  	v4 =	vld.idx.msk [tilespmem:v10+s18+$0x0], $0xffff  }
0xf4: {  	s1 =	sor.u32 $0x80, s0;
	v10 =	vld.idx.msk [tilespmem:v11+s18+$0x0], $0xffff  }
0xf5: {  	s16 =	sor.u32 $0xA0, s0;
	v11 =	vld [tilespmem:s1+$0x1C700]  }
0xf6: {  	s4 =	simm.s32 $0x40;
	v12 =	vld [tilespmem:s16+$0x1C700]  }
0xf7: {  	s28 =	sand.u32 $0xFC0, s4;
	v5 =	vld.idx.msk [tilespmem:v5+s18+$0x0], $0xffff;
	s1 =	sor.u32 $0xB0, s0;
	s0 =	simm.s32 $0x80  }
.LBB2_18:
0xf8: {  	p2 =	sne.s32 s0, $0xFC0;
	v14 =	vld [tilespmem:s28+$0x3000]  }
0xf9: {  	s26 =	sadd.s32 $0x40, s26;
	v15 =	vld [tilespmem:s1+$0x1C700]  }
0xfa: {  	v16 =	vld [tilespmem:s26+$0xFFFFFFE0];
	v10 =	vsub.f32 v11, v10  }
0xfb: {  	v11 =	vld [tilespmem:s26+$0xFFFFFFF0];
	v13 =	vsub.f32 v13, v6  }
0xfc: {  	p1 =	por !p1, !p1;
	s1 =	simm.s32 $0x1;
	v17 =	vld [tilespmem:s26+$0x0];
	v10 =	vmul.f32 v10, v10;
	v12 =	vsub.f32 v12, v5  }
0xfd: {  	s1 =	simm.s32 @!p1 $0x0;
	v6 =	vld.idx.msk [tilespmem:v8+s18+$0x0], $0xffff;
	v13 =	vmul.f32 v13, v13  }
0xfe: {  	s25 =	sadd.s32 $0x80, s25;
	s1 =	sshll.u32 s1, $0x6;
	v5 =	vld.idx.msk [tilespmem:v9+s18+$0x0], $0xffff;
	v3 =	vadd.f32 v10, v3;
	v18 =	vmul.f32 v12, v12;
	v12 =	vsub.f32 v15, v4  }
.Ltmp8:
0xff: {  	s1 =	sadd.s32 s1, s25;
	v4 =	vld.idx.msk [tilespmem:v7+s18+$0x0], $0xffff;
	v2 =	vadd.f32 v13, v2;
	v8 =	vmov v16;
	(pc) =	sbr.rel @p2 .LBB2_18-.Ltmp8, $4  }
0x100: {  	s2 =	sor.u32 $0x80, s1;
	s4 =	sor.u32 $0x90, s1;
	s16 =	sor.u32 $0xA0, s1;
	v10 =	vld.idx.msk [tilespmem:v14+s18+$0x0], $0xffff;
	v1 =	vadd.f32 v18, v1;
	v12 =	vmul.f32 v12, v12;
	v9 =	vmov v11  }
0x101: {  	s1 =	sor.u32 $0xB0, s1;
	v11 =	vld [tilespmem:s2+$0x1C700];
	v7 =	vmov v17  }
0x102: {  	v13 =	vld [tilespmem:s4+$0x1C700];
	v0 =	vadd.f32 v12, v0  }
0x103: {  	s28 =	sand.u32 $0xFC0, s0;
	s0 =	sadd.s32 $0x40, s0;
	v12 =	vld [tilespmem:s16+$0x1C700]  }
0x104: {  	_ =	sdelay $0x1  }
0x105: {  	v14 =	vld [tilespmem:s28+$0x3000];
	p1 =	por !p1, !p1;
	s0 =	simm.s32 $0x1  }
0x106: {  	v15 =	vld [tilespmem:s1+$0x1C700];
	s0 =	simm.s32 @!p1 $0x0  }
0x107: {  	v8 =	vld.idx.msk [tilespmem:v8+s18+$0x0], $0xffff;
	s30 =	sadd.s32 $0x80, s25;
	s0 =	sshll.u32 s0, $0x6  }
0x108: {  	v9 =	vld.idx.msk [tilespmem:v9+s18+$0x0], $0xffff;
	s0 =	sadd.s32 s0, s30  }
0x109: {  	v7 =	vld.idx.msk [tilespmem:v7+s18+$0x0], $0xffff;
	s1 =	sor.u32 $0x80, s0  }
0x10a: {  	s2 =	sor.u32 $0x90, s0;
	v16 =	vld [tilespmem:s1+$0x1C700]  }
0x10b: {  	s31 =	sor.u32 $0xA0, s0;
	v61 =	vld [tilespmem:s2+$0x1C700]  }
0x10c: {  	v62 =	vld [tilespmem:s31+$0x1C700]  }
0x10d: {  	v10 =	vsub.f32 v11, v10;
	v6 =	vsub.f32 v13, v6;
	s0 =	sor.u32 $0xB0, s0;
	v14 =	vld.idx.msk [tilespmem:v14+s18+$0x0], $0xffff  }
0x10e: {  	v17 =	vld [tilespmem:s0+$0x1C700]  }
0x10f: {  	v10 =	vmul.f32 v10, v10;
	v6 =	vmul.f32 v6, v6  }
0x110: {  	v5 =	vsub.f32 v12, v5;
	v4 =	vsub.f32 v15, v4  }
0x111: {  	v3 =	vadd.f32 v10, v3;
	v6 =	vadd.f32 v6, v2  }
0x112: {  	v2 =	vmul.f32 v5, v5;
	v9 =	vsub.f32 v62, v9;
	v5 =	vsub.f32 v16, v14  }
0x113: {  	v4 =	vmul.f32 v4, v4;
	v8 =	vsub.f32 v61, v8;
	v7 =	vsub.f32 v17, v7  }
0x114: {  	v1 =	vadd.f32 v2, v1;
	v63 =	vmul.f32 v9, v9;
	v2 =	vmul.f32 v5, v5  }
0x115: {  	v4 =	vadd.f32 v4, v0;
	v7 =	vmul.f32 v7, v7;
	v5 =	vmul.f32 v8, v8  }
0x116: {  	s26 =	sadd.s32 $0x0, s10;
	v1 =	vadd.f32 v63, v1;
	v2 =	vadd.f32 v2, v3  }
0x117: {  	s25 =	simm.s32 $0x1C880;
	s0 =	simm.s32 $0x1C780;
	s1 =	simm.s32 $0x80;
	v0 =	vadd.f32 v5, v6;
	v3 =	vadd.f32 v7, v4  }
.LBB2_20:
0x118: {  	[tilespmem:s0], [sflag:$0x2] =	stream.linear.gather [hbm4b:s26+s3], $0x80, $0x38;
	[tilespmem:$0x1EB80] =	vst v63  }
0x119: {  	s2 =	smov.u32 s1;
	s0 =	smov.u32 s25;
	p1 =	sne.s32 s1, $0xF80  }
.Ltmp9:
0x11a: {  	s1 =	sadd.s32 $0x80, s1;
	(pc) =	sbr.rel @p1 .LBB2_20-.Ltmp9, $2  }
0x11b: {  	_ =	sdelay $0x2  }
0x11c: {  	s25 =	sadd.s32 $0x100, s25;
	s26 =	sadd.s32 s2, s10  }
0x11d: {  	[tilespmem:s0], [sflag:$0x2] =	stream.linear.gather [hbm4b:s26+s3], $0x80, $0x38;
	[tilespmem:$0x1EB80] =	vst v63  }
0x11e: {  	s26 =	rddreg [dreg:$0x7];
	s1 =	simm.s32 $0x400  }
0x11f: {  	[tilespmem:s18], [sflag:$0x1] =	stream.strided.gather [hbm4b:s26+s11], $0x18700, s1, s11, $0x38;
	[tilespmem:$0x1EB80] =	vst v63  }
0x120: {  	_ =	swait.ge [sflag:s19], $0x18700  }
0x121: {  	[sflag:s19] =	ssyncset.done $0x0  }
0x122: {  	[sflag:s19] =	ssyncadd.s32 $0xFFFE7900  }
0x123: {  	s1 =	simm.s32 $0x0;
	_ =	swait.ge [sflag:s21], $0x1000  }
0x124: {  	s11 =	sand.u32 $0x40, s1;
	[sflag:s21] =	ssyncset.done $0x0  }
0x125: {  	s2 =	sand.u32 $0xF80, s1;
	s4 =	sor.u32 $0x30, s11;
	[sflag:s21] =	ssyncadd.s32 $0xFFFFF000  }
0x126: {  	s16 =	sor.u32 s4, s2;
	v4 =	vld [tilespmem:s1+$0x0]  }
0x127: {  	s17 =	sor.u32 $0x10, s11;
	v5 =	vld [tilespmem:s16+$0x0];
	s16 =	sor.u32 $0x20, s11  }
0x128: {  	s22 =	sor.u32 s17, s2;
	s2 =	sor.u32 s16, s2  }
0x129: {  	s0 =	sand.u32 $0x1F00, s1;
	v7 =	vld [tilespmem:s2+$0x0]  }
0x12a: {  	s26 =	simm.s32 $0x40;
	s0 =	sadd.s32 $0x1C700, s0;
	v6 =	vld [tilespmem:s22+$0x0]  }
0x12b: {  	s4 =	sor.u32 s4, s0;
	v11 =	vld [tilespmem:s26+$0x0];
	s22 =	sand.u32 $0x40, s26  }
0x12c: {  	v9 =	vld [tilespmem:s4+$0x0];
	s1 =	sor.u32 s11, s0;
	s2 =	sand.u32 $0xF80, s26;
	s26 =	sor.u32 $0x10, s22  }
0x12d: {  	v13 =	vld [tilespmem:s1+$0x0];
	s28 =	sor.u32 s26, s2  }
0x12e: {  	v8 =	vld [tilespmem:s28+$0x0]  }
0x12f: {  	v12 =	vld.idx.msk [tilespmem:v4+s18+$0x0], $0xffff  }
0x130: {  	s4 =	sor.u32 $0x30, s22;
	v5 =	vld.idx.msk [tilespmem:v5+s18+$0x0], $0xffff  }
0x131: {  	s25 =	sor.u32 s4, s2;
	v4 =	vld.idx.msk [tilespmem:v7+s18+$0x0], $0xffff  }
0x132: {  	s31 =	sor.u32 $0x20, s22;
	v7 =	vld [tilespmem:s25+$0x0]  }
0x133: {  	s2 =	sor.u32 s31, s2;
	v14 =	vld.idx.msk [tilespmem:v6+s18+$0x0], $0xffff  }
0x134: {  	s11 =	sor.u32 s17, s0;
	v6 =	vld [tilespmem:s2+$0x0]  }
0x135: {  	s0 =	sor.u32 s16, s0;
	v15 =	vld [tilespmem:s11+$0x0];
	s25 =	simm.s32 $0x80  }
0x136: {  	s1 =	simm.s32 $0x80;
	s17 =	sand.u32 $0x1F00, s25;
	v5 =	vsub.f32 v9, v5;
	v9 =	vld [tilespmem:s0+$0x0]  }
0x137: {  	v10 =	vld [tilespmem:s1+$0x0];
	s0 =	sadd.s32 $0x1C700, s17  }
0x138: {  	s28 =	sor.u32 s22, s0;
	s22 =	sor.u32 s4, s0;
	v16 =	vmul.f32 v5, v5;
	v5 =	vld.idx.msk [tilespmem:v11+s18+$0x0], $0xffff  }
0x139: {  	s30 =	simm.s32 $0xC0;
	v13 =	vsub.f32 v13, v12;
	s29 =	sor.u32 s26, s0;
	v11 =	vld [tilespmem:s22+$0x0]  }
0x13a: {  	v12 =	vsub.f32 v15, v14;
	s26 =	sand.u32 $0x40, s1;
	s31 =	sor.u32 s31, s0;
	s0 =	simm.s32 $0x80;
	v3 =	vadd.f32 v16, v3;
	v7 =	vld.idx.msk [tilespmem:v7+s18+$0x0], $0xffff  }
.LBB2_22:
0x13b: {  	p1 =	sne.s32 s30, $0xFC0;
	s1 =	sand.u32 $0xF80, s1;
	s2 =	sor.u32 $0x30, s26;
	v14 =	vld.idx.msk [tilespmem:v8+s18+$0x0], $0xffff;
	v8 =	vmul.f32 v13, v13;
	v9 =	vsub.f32 v9, v4  }
0x13c: {  	s4 =	sor.u32 $0x10, s26;
	s16 =	sor.u32 $0x20, s26;
	s17 =	sor.u32 s2, s1;
	v4 =	vld.idx.msk [tilespmem:v6+s18+$0x0], $0xffff;
	v6 =	vmul.f32 v12, v12;
	v12 =	vmov v10  }
0x13d: {  	s22 =	sor.u32 s4, s1;
	s11 =	sor.u32 s16, s1;
	s1 =	smov.u32 s30;
	v13 =	vld [tilespmem:s17+$0x0];
	v2 =	vadd.f32 v8, v2;
	v9 =	vmul.f32 v9, v9  }
0x13e: {  	v15 =	vmov v5;
	v8 =	vld [tilespmem:s22+$0x0];
	v0 =	vadd.f32 v6, v0  }
0x13f: {  	v6 =	vld [tilespmem:s11+$0x0];
	v5 =	vsub.f32 v11, v7;
	v1 =	vadd.f32 v9, v1  }
0x140: {  	v11 =	vld [tilespmem:s28+$0x0]  }
0x141: {  	v16 =	vld [tilespmem:s29+$0x0];
	v5 =	vmul.f32 v5, v5  }
.Ltmp10:
0x142: {  	s0 =	sadd.s32 $0x40, s0;
	s25 =	sadd.s32 $0x80, s25;
	v9 =	vld [tilespmem:s31+$0x0];
	(pc) =	sbr.rel @p1 .LBB2_22-.Ltmp10, $4  }
0x143: {  	s11 =	sand.u32 $0x1F00, s25;
	v10 =	vld [tilespmem:s0+$0x0];
	v3 =	vadd.f32 v5, v3  }
0x144: {  	s11 =	sadd.s32 $0x1C700, s11;
	v5 =	vld.idx.msk [tilespmem:v12+s18+$0x0], $0xffff  }
0x145: {  	s28 =	sor.u32 s26, s11;
	s29 =	sor.u32 s4, s11;
	s2 =	sor.u32 s2, s11;
	v7 =	vld.idx.msk [tilespmem:v13+s18+$0x0], $0xffff;
	v13 =	vsub.f32 v11, v15  }
0x146: {  	s30 =	sadd.s32 $0x40, s30;
	s26 =	sand.u32 $0x40, s1;
	s31 =	sor.u32 s16, s11;
	v11 =	vld [tilespmem:s2+$0x0];
	v12 =	vsub.f32 v16, v14  }
0x147: {  	_ =	sdelay $0x3  }
0x148: {  	v8 =	vld.idx.msk [tilespmem:v8+s18+$0x0], $0xffff  }
0x149: {  	v6 =	vld.idx.msk [tilespmem:v6+s18+$0x0], $0xffff  }
0x14a: {  	s0 =	sand.u32 $0xF80, s1;
	s17 =	sor.u32 $0x30, s26;
	v17 =	vld [tilespmem:s28+$0x0]  }
0x14b: {  	s4 =	sor.u32 $0x10, s26;
	v18 =	vld [tilespmem:s29+$0x0];
	s2 =	sor.u32 s17, s0  }
0x14c: {  	s22 =	sor.u32 $0x20, s26;
	s11 =	sor.u32 s4, s0;
	v14 =	vld [tilespmem:s2+$0x0]  }
0x14d: {  	s30 =	sadd.s32 $0x80, s25;
	s0 =	sor.u32 s22, s0;
	v15 =	vld [tilespmem:s11+$0x0]  }
0x14e: {  	v16 =	vld [tilespmem:s0+$0x0];
	s0 =	sand.u32 $0x1F00, s30  }
0x14f: {  	v19 =	vld [tilespmem:s31+$0x0];
	s0 =	sadd.s32 $0x1C700, s0  }
0x150: {  	v10 =	vld.idx.msk [tilespmem:v10+s18+$0x0], $0xffff;
	s1 =	sor.u32 s17, s0  }
0x151: {  	s31 =	sor.u32 s26, s0;
	v20 =	vld [tilespmem:s1+$0x0]  }
0x152: {  	s4 =	sor.u32 s4, s0;
	v57 =	vld [tilespmem:s31+$0x0]  }
0x153: {  	s0 =	sor.u32 s22, s0;
	v58 =	vld [tilespmem:s4+$0x0]  }
0x154: {  	v4 =	vsub.f32 v9, v4;
	v59 =	vld [tilespmem:s0+$0x0]  }
0x155: {  	v13 =	vmul.f32 v13, v13;
	v12 =	vmul.f32 v12, v12;
	v14 =	vld.idx.msk [tilespmem:v14+s18+$0x0], $0xffff  }
0x156: {  	v4 =	vmul.f32 v4, v4;
	v7 =	vsub.f32 v11, v7;
	v5 =	vsub.f32 v17, v5;
	v15 =	vld.idx.msk [tilespmem:v15+s18+$0x0], $0xffff  }
0x157: {  	v2 =	vadd.f32 v13, v2;
	v0 =	vadd.f32 v12, v0;
	v56 =	vld.idx.msk [tilespmem:v16+s18+$0x0], $0xffff  }
0x158: {  	v1 =	vadd.f32 v4, v1;
	v7 =	vmul.f32 v7, v7;
	v4 =	vmul.f32 v5, v5  }
0x159: {  	v6 =	vsub.f32 v19, v6;
	v5 =	vsub.f32 v18, v8  }
0x15a: {  	v3 =	vadd.f32 v7, v3;
	v2 =	vadd.f32 v4, v2  }
0x15b: {  	v4 =	vmul.f32 v5, v5;
	v60 =	vsub.f32 v57, v10;
	v5 =	vsub.f32 v20, v14  }
0x15c: {  	v6 =	vmul.f32 v6, v6;
	v61 =	vsub.f32 v58, v15;
	v9 =	vsub.f32 v59, v56  }
0x15d: {  	v4 =	vadd.f32 v4, v0;
	v0 =	vmul.f32 v5, v5;
	v5 =	vmul.f32 v60, v60  }
0x15e: {  	v1 =	vadd.f32 v6, v1;
	v62 =	vmul.f32 v61, v61;
	v63 =	vmul.f32 v9, v9  }
0x15f: {  	s25 =	simm.s32 $0x1C800;
	v0 =	vadd.f32 v0, v3;
	v2 =	vadd.f32 v5, v2  }
0x160: {  	s26 =	sadd.s32 $0x0, s12;
	s0 =	simm.s32 $0x1C700;
	s1 =	simm.s32 $0x80;
	v3 =	vadd.f32 v62, v4;
	v1 =	vadd.f32 v63, v1  }
.LBB2_24:
0x161: {  	[tilespmem:s0], [sflag:$0x2] =	stream.linear.gather [hbm4b:s26+s3], $0x80, $0x38;
	[tilespmem:$0x1EB80] =	vst v63  }
0x162: {  	s2 =	smov.u32 s1;
	s0 =	smov.u32 s25;
	p1 =	sne.s32 s1, $0xF80  }
.Ltmp11:
0x163: {  	s1 =	sadd.s32 $0x80, s1;
	(pc) =	sbr.rel @p1 .LBB2_24-.Ltmp11, $2  }
0x164: {  	_ =	sdelay $0x2  }
0x165: {  	s25 =	sadd.s32 $0x100, s25;
	s26 =	sadd.s32 s2, s12  }
0x166: {  	[tilespmem:s0], [sflag:$0x2] =	stream.linear.gather [hbm4b:s26+s3], $0x80, $0x38;
	[tilespmem:$0x1EB80] =	vst v63  }
0x167: {  	_ =	swait.ge [sflag:s21], $0x1000  }
0x168: {  	[sflag:s21] =	ssyncset.done $0x0  }
0x169: {  	s30 =	simm.s32 $0x1030;
	[sflag:s21] =	ssyncadd.s32 $0xFFFFF000  }
0x16a: {  	s25 =	simm.s32 $0x0;
	v4 =	vld [tilespmem:s30+$0xFFFFFFE0]  }
0x16b: {  	s31 =	sand.u32 $0xFC0, s25;
	v10 =	vld [tilespmem:s30+$0x0]  }
0x16c: {  	p1 =	por $0x0, $0x0;
	s0 =	simm.s32 $0x1;
	v11 =	vld [tilespmem:s31+$0x1000]  }
0x16d: {  	s26 =	simm.s32 $0x1070;
	s0 =	simm.s32 @!p1 $0x0;
	v5 =	vld [tilespmem:s30+$0xFFFFFFF0]  }
0x16e: {  	s0 =	sshll.u32 s0, $0x6;
	v8 =	vld [tilespmem:s26+$0xFFFFFFE0]  }
0x16f: {  	s0 =	sadd.s32 $0x0, s0;
	v9 =	vld [tilespmem:s26+$0xFFFFFFF0]  }
0x170: {  	v7 =	vld [tilespmem:s26+$0x0];
	s2 =	sor.u32 $0x90, s0  }
0x171: {  	v13 =	vld [tilespmem:s2+$0x1C700]  }
0x172: {  	v6 =	vld.idx.msk [tilespmem:v4+s18+$0x0], $0xffff  }
0x173: {  	v4 =	vld.idx.msk [tilespmem:v10+s18+$0x0], $0xffff  }
0x174: {  	s1 =	sor.u32 $0x80, s0;
	v10 =	vld.idx.msk [tilespmem:v11+s18+$0x0], $0xffff  }
0x175: {  	s11 =	sor.u32 $0xA0, s0;
	v11 =	vld [tilespmem:s1+$0x1C700]  }
0x176: {  	s4 =	simm.s32 $0x40;
	v12 =	vld [tilespmem:s11+$0x1C700]  }
0x177: {  	s28 =	sand.u32 $0xFC0, s4;
	v5 =	vld.idx.msk [tilespmem:v5+s18+$0x0], $0xffff;
	s1 =	sor.u32 $0xB0, s0;
	s0 =	simm.s32 $0x80  }
.LBB2_26:
0x178: {  	p2 =	sne.s32 s0, $0xFC0;
	v14 =	vld [tilespmem:s28+$0x1000]  }
0x179: {  	s26 =	sadd.s32 $0x40, s26;
	v15 =	vld [tilespmem:s1+$0x1C700]  }
0x17a: {  	v16 =	vld [tilespmem:s26+$0xFFFFFFE0];
	v10 =	vsub.f32 v11, v10  }
0x17b: {  	v11 =	vld [tilespmem:s26+$0xFFFFFFF0];
	v13 =	vsub.f32 v13, v6  }
0x17c: {  	p1 =	por !p1, !p1;
	s1 =	simm.s32 $0x1;
	v17 =	vld [tilespmem:s26+$0x0];
	v10 =	vmul.f32 v10, v10;
	v12 =	vsub.f32 v12, v5  }
0x17d: {  	s1 =	simm.s32 @!p1 $0x0;
	v6 =	vld.idx.msk [tilespmem:v8+s18+$0x0], $0xffff;
	v13 =	vmul.f32 v13, v13  }
0x17e: {  	s25 =	sadd.s32 $0x80, s25;
	s1 =	sshll.u32 s1, $0x6;
	v5 =	vld.idx.msk [tilespmem:v9+s18+$0x0], $0xffff;
	v2 =	vadd.f32 v10, v2;
	v18 =	vmul.f32 v12, v12;
	v12 =	vsub.f32 v15, v4  }
.Ltmp12:
0x17f: {  	s1 =	sadd.s32 s1, s25;
	v4 =	vld.idx.msk [tilespmem:v7+s18+$0x0], $0xffff;
	v3 =	vadd.f32 v13, v3;
	v8 =	vmov v16;
	(pc) =	sbr.rel @p2 .LBB2_26-.Ltmp12, $4  }
0x180: {  	s2 =	sor.u32 $0x80, s1;
	s4 =	sor.u32 $0x90, s1;
	s11 =	sor.u32 $0xA0, s1;
	v10 =	vld.idx.msk [tilespmem:v14+s18+$0x0], $0xffff;
	v1 =	vadd.f32 v18, v1;
	v12 =	vmul.f32 v12, v12;
	v9 =	vmov v11  }
0x181: {  	s1 =	sor.u32 $0xB0, s1;
	v11 =	vld [tilespmem:s2+$0x1C700];
	v7 =	vmov v17  }
0x182: {  	v13 =	vld [tilespmem:s4+$0x1C700];
	v0 =	vadd.f32 v12, v0  }
0x183: {  	s28 =	sand.u32 $0xFC0, s0;
	s0 =	sadd.s32 $0x40, s0;
	v12 =	vld [tilespmem:s11+$0x1C700]  }
0x184: {  	_ =	sdelay $0x1  }
0x185: {  	v14 =	vld [tilespmem:s28+$0x1000];
	p1 =	por !p1, !p1;
	s0 =	simm.s32 $0x1  }
0x186: {  	v15 =	vld [tilespmem:s1+$0x1C700];
	s0 =	simm.s32 @!p1 $0x0  }
0x187: {  	v8 =	vld.idx.msk [tilespmem:v8+s18+$0x0], $0xffff;
	s30 =	sadd.s32 $0x80, s25;
	s0 =	sshll.u32 s0, $0x6  }
0x188: {  	v9 =	vld.idx.msk [tilespmem:v9+s18+$0x0], $0xffff;
	s0 =	sadd.s32 s0, s30  }
0x189: {  	v7 =	vld.idx.msk [tilespmem:v7+s18+$0x0], $0xffff;
	s1 =	sor.u32 $0x80, s0  }
0x18a: {  	s2 =	sor.u32 $0x90, s0;
	v16 =	vld [tilespmem:s1+$0x1C700]  }
0x18b: {  	v6 =	vsub.f32 v13, v6;
	s31 =	sor.u32 $0xA0, s0;
	v62 =	vld [tilespmem:s2+$0x1C700]  }
0x18c: {  	s0 =	sor.u32 $0xB0, s0;
	v63 =	vld [tilespmem:s31+$0x1C700]  }
0x18d: {  	v5 =	vsub.f32 v12, v5;
	v17 =	vld [tilespmem:s0+$0x1C700];
	v6 =	vmul.f32 v6, v6  }
0x18e: {  	v14 =	vld.idx.msk [tilespmem:v14+s18+$0x0], $0xffff  }
0x18f: {  	v6 =	vadd.f32 v6, v3;
	v3 =	vmul.f32 v5, v5  }
0x190: {  	v4 =	vsub.f32 v15, v4  }
0x191: {  	v10 =	vsub.f32 v11, v10;
	v1 =	vadd.f32 v3, v1  }
0x192: {  	v4 =	vmul.f32 v4, v4;
	v9 =	vsub.f32 v63, v9;
	v7 =	vsub.f32 v17, v7  }
0x193: {  	v10 =	vmul.f32 v10, v10;
	v8 =	vsub.f32 v62, v8;
	v5 =	vsub.f32 v16, v14  }
0x194: {  	v0 =	vadd.f32 v4, v0;
	v4 =	vmul.f32 v9, v9;
	v7 =	vmul.f32 v7, v7  }
0x195: {  	v2 =	vadd.f32 v10, v2;
	v3 =	vmul.f32 v5, v5;
	v5 =	vmul.f32 v8, v8  }
0x196: {  	s26 =	sadd.s32 $0x0, s13;
	v1 =	vadd.f32 v4, v1;
	v0 =	vadd.f32 v7, v0  }
0x197: {  	s25 =	simm.s32 $0x1C880;
	s0 =	simm.s32 $0x1C780;
	s1 =	simm.s32 $0x80;
	v3 =	vadd.f32 v3, v2;
	v2 =	vadd.f32 v5, v6  }
.LBB2_28:
0x198: {  	[tilespmem:s0], [sflag:$0x2] =	stream.linear.gather [hbm4b:s26+s3], $0x80, $0x38;
	[tilespmem:$0x1EB80] =	vst v63  }
0x199: {  	s2 =	smov.u32 s1;
	s0 =	smov.u32 s25;
	p1 =	sne.s32 s1, $0xF80  }
.Ltmp13:
0x19a: {  	s1 =	sadd.s32 $0x80, s1;
	(pc) =	sbr.rel @p1 .LBB2_28-.Ltmp13, $2  }
0x19b: {  	_ =	sdelay $0x2  }
0x19c: {  	s25 =	sadd.s32 $0x100, s25;
	s26 =	sadd.s32 s2, s13  }
0x19d: {  	[tilespmem:s0], [sflag:$0x2] =	stream.linear.gather [hbm4b:s26+s3], $0x80, $0x38;
	[tilespmem:$0x1EB80] =	vst v63  }
0x19e: {  	_ =	swait.ge [sflag:s21], $0x1000  }
0x19f: {  	[sflag:s21] =	ssyncset.done $0x0  }
0x1a0: {  	s26 =	simm.s32 $0x2030;
	[sflag:s21] =	ssyncadd.s32 $0xFFFFF000  }
0x1a1: {  	v4 =	vld [tilespmem:s26+$0xFFFFFFE0]  }
0x1a2: {  	s25 =	simm.s32 $0x0;
	v5 =	vld [tilespmem:s26+$0xFFFFFFF0]  }
0x1a3: {  	s30 =	sand.u32 $0xFC0, s25;
	s31 =	sand.u32 $0x40, s25;
	s1 =	sand.u32 $0x1F00, s25;
	v8 =	vld [tilespmem:s26+$0x0]  }
0x1a4: {  	s0 =	sor.u32 s31, s1;
	v11 =	vld [tilespmem:s30+$0x2000]  }
0x1a5: {  	s28 =	sadd.s32 $0x1C700, s0;
	v12 =	vld [tilespmem:s0+$0x1C700]  }
0x1a6: {  	s26 =	simm.s32 $0x2070;
	v13 =	vld [tilespmem:s28+$0x10]  }
0x1a7: {  	v9 =	vld [tilespmem:s26+$0xFFFFFFE0]  }
0x1a8: {  	v10 =	vld [tilespmem:s26+$0xFFFFFFF0]  }
0x1a9: {  	v7 =	vld [tilespmem:s26+$0x0]  }
0x1aa: {  	v6 =	vld.idx.msk [tilespmem:v4+s18+$0x0], $0xffff  }
0x1ab: {  	v4 =	vld.idx.msk [tilespmem:v8+s18+$0x0], $0xffff  }
0x1ac: {  	v8 =	vld.idx.msk [tilespmem:v11+s18+$0x0], $0xffff  }
0x1ad: {  	s1 =	simm.s32 $0x40;
	v5 =	vld.idx.msk [tilespmem:v5+s18+$0x0], $0xffff  }
0x1ae: {  	s29 =	sand.u32 $0xFC0, s1;
	s0 =	simm.s32 $0x80;
	v11 =	vld [tilespmem:s28+$0x20]  }
.LBB2_30:
0x1af: {  	p1 =	sne.s32 s0, $0xFC0;
	v14 =	vld [tilespmem:s29+$0x2000]  }
0x1b0: {  	s26 =	sadd.s32 $0x40, s26;
	v15 =	vld [tilespmem:s28+$0x30]  }
0x1b1: {  	v16 =	vld [tilespmem:s26+$0xFFFFFFE0];
	v8 =	vsub.f32 v12, v8  }
0x1b2: {  	v12 =	vld [tilespmem:s26+$0xFFFFFFF0];
	v13 =	vsub.f32 v13, v6  }
0x1b3: {  	v17 =	vld [tilespmem:s26+$0x0];
	v8 =	vmul.f32 v8, v8;
	v11 =	vsub.f32 v11, v5  }
0x1b4: {  	v6 =	vld.idx.msk [tilespmem:v9+s18+$0x0], $0xffff;
	v13 =	vmul.f32 v13, v13  }
0x1b5: {  	s25 =	sadd.s32 $0x80, s25;
	v5 =	vld.idx.msk [tilespmem:v10+s18+$0x0], $0xffff;
	v3 =	vadd.f32 v8, v3;
	v18 =	vmul.f32 v11, v11;
	v11 =	vsub.f32 v15, v4  }
.Ltmp14:
0x1b6: {  	s1 =	sand.u32 $0x40, s1;
	s2 =	sand.u32 $0x1F00, s25;
	v4 =	vld.idx.msk [tilespmem:v7+s18+$0x0], $0xffff;
	v2 =	vadd.f32 v13, v2;
	v9 =	vmov v16;
	(pc) =	sbr.rel @p1 .LBB2_30-.Ltmp14, $4  }
0x1b7: {  	s2 =	sor.u32 s1, s2;
	s1 =	smov.u32 s0;
	v8 =	vld.idx.msk [tilespmem:v14+s18+$0x0], $0xffff;
	v1 =	vadd.f32 v18, v1;
	v11 =	vmul.f32 v11, v11;
	v10 =	vmov v12  }
0x1b8: {  	s28 =	sadd.s32 $0x1C700, s2;
	v12 =	vld [tilespmem:s2+$0x1C700];
	v7 =	vmov v17  }
0x1b9: {  	v13 =	vld [tilespmem:s28+$0x10];
	v0 =	vadd.f32 v11, v0  }
0x1ba: {  	s0 =	sadd.s32 $0x40, s0;
	s29 =	sand.u32 $0xFC0, s1;
	v11 =	vld [tilespmem:s28+$0x20]  }
0x1bb: {  	_ =	sdelay $0x1  }
0x1bc: {  	v14 =	vld [tilespmem:s29+$0x2000]  }
0x1bd: {  	v15 =	vld [tilespmem:s28+$0x30]  }
0x1be: {  	v16 =	vld.idx.msk [tilespmem:v9+s18+$0x0], $0xffff;
	s0 =	sadd.s32 $0x80, s25  }
0x1bf: {  	v10 =	vld.idx.msk [tilespmem:v10+s18+$0x0], $0xffff;
	s1 =	sand.u32 $0x40, s1;
	s0 =	sand.u32 $0x1F00, s0  }
0x1c0: {  	v17 =	vld.idx.msk [tilespmem:v7+s18+$0x0], $0xffff;
	s0 =	sor.u32 s1, s0  }
0x1c1: {  	s1 =	sadd.s32 $0x1C700, s0;
	v18 =	vld [tilespmem:s0+$0x1C700]  }
0x1c2: {  	v19 =	vld [tilespmem:s1+$0x10]  }
0x1c3: {  	v20 =	vld [tilespmem:s1+$0x20]  }
0x1c4: {  	v21 =	vld [tilespmem:s1+$0x30]  }
0x1c5: {  	v14 =	vld.idx.msk [tilespmem:v14+s18+$0x0], $0xffff;
	_ =	swait.ge [sflag:s21], $0x1000  }
0x1c6: {  	[sflag:s21] =	ssyncset.done $0x0  }
0x1c7: {  	s29 =	simm.s32 $0x3030;
	[sflag:s21] =	ssyncadd.s32 $0xFFFFF000  }
0x1c8: {  	v6 =	vsub.f32 v13, v6;
	v22 =	vld [tilespmem:s29+$0xFFFFFFE0]  }
0x1c9: {  	s25 =	simm.s32 $0x0;
	v7 =	vsub.f32 v12, v8;
	v23 =	vld [tilespmem:s29+$0xFFFFFFF0]  }
0x1ca: {  	p1 =	por $0x0, $0x0;
	s30 =	sand.u32 $0xFC0, s25;
	s0 =	simm.s32 $0x1;
	v5 =	vsub.f32 v11, v5;
	v6 =	vmul.f32 v6, v6;
	v24 =	vld [tilespmem:s29+$0x0]  }
0x1cb: {  	s26 =	simm.s32 $0x3070;
	v8 =	vmul.f32 v7, v7;
	s0 =	simm.s32 @!p1 $0x0;
	v11 =	vsub.f32 v15, v4;
	v12 =	vld [tilespmem:s30+$0x3000]  }
0x1cc: {  	s0 =	sshll.u32 s0, $0x6;
	v5 =	vmul.f32 v5, v5;
	v15 =	vadd.f32 v6, v2;
	v7 =	vld [tilespmem:s26+$0xFFFFFFE0];
	v6 =	vsub.f32 v18, v14  }
0x1cd: {  	s0 =	sadd.s32 $0x0, s0;
	v11 =	vmul.f32 v11, v11;
	v9 =	vld [tilespmem:s26+$0xFFFFFFF0]  }
0x1ce: {  	v13 =	vadd.f32 v8, v3;
	s31 =	sor.u32 $0x80, s0;
	v1 =	vadd.f32 v5, v1;
	v8 =	vld [tilespmem:s26+$0x0];
	v5 =	vmul.f32 v6, v6  }
0x1cf: {  	s11 =	sor.u32 $0xA0, s0;
	v0 =	vadd.f32 v11, v0;
	v11 =	vld [tilespmem:s31+$0x1C700]  }
0x1d0: {  	v17 =	vsub.f32 v21, v17;
	v6 =	vadd.f32 v5, v13;
	v13 =	vld [tilespmem:s11+$0x1C700]  }
0x1d1: {  	v63 =	vsub.f32 v20, v10;
	v14 =	vsub.f32 v19, v16;
	v4 =	vld.idx.msk [tilespmem:v22+s18+$0x0], $0xffff  }
0x1d2: {  	v17 =	vmul.f32 v17, v17;
	v3 =	vld.idx.msk [tilespmem:v23+s18+$0x0], $0xffff  }
0x1d3: {  	s2 =	sor.u32 $0x90, s0;
	v16 =	vmul.f32 v63, v63;
	v14 =	vmul.f32 v14, v14;
	v10 =	vld.idx.msk [tilespmem:v12+s18+$0x0], $0xffff  }
0x1d4: {  	s4 =	simm.s32 $0x40;
	v0 =	vadd.f32 v17, v0;
	v12 =	vld [tilespmem:s2+$0x1C700]  }
0x1d5: {  	s28 =	sand.u32 $0xFC0, s4;
	s1 =	sor.u32 $0xB0, s0;
	s0 =	simm.s32 $0x80;
	v1 =	vadd.f32 v16, v1;
	v5 =	vadd.f32 v14, v15;
	v2 =	vld.idx.msk [tilespmem:v24+s18+$0x0], $0xffff  }
.LBB2_32:
0x1d6: {  	p2 =	sne.s32 s0, $0xFC0;
	v14 =	vld [tilespmem:s28+$0x3000]  }
0x1d7: {  	s26 =	sadd.s32 $0x40, s26;
	v15 =	vld [tilespmem:s1+$0x1C700]  }
0x1d8: {  	v16 =	vld [tilespmem:s26+$0xFFFFFFE0];
	v10 =	vsub.f32 v11, v10  }
0x1d9: {  	v11 =	vld [tilespmem:s26+$0xFFFFFFF0];
	v12 =	vsub.f32 v12, v4  }
0x1da: {  	p1 =	por !p1, !p1;
	s1 =	simm.s32 $0x1;
	v17 =	vld [tilespmem:s26+$0x0];
	v10 =	vmul.f32 v10, v10;
	v13 =	vsub.f32 v13, v3  }
0x1db: {  	s1 =	simm.s32 @!p1 $0x0;
	v4 =	vld.idx.msk [tilespmem:v7+s18+$0x0], $0xffff;
	v18 =	vmul.f32 v12, v12  }
0x1dc: {  	s25 =	sadd.s32 $0x80, s25;
	s1 =	sshll.u32 s1, $0x6;
	v3 =	vld.idx.msk [tilespmem:v9+s18+$0x0], $0xffff;
	v6 =	vadd.f32 v10, v6;
	v19 =	vmul.f32 v13, v13;
	v12 =	vsub.f32 v15, v2  }
.Ltmp15:
0x1dd: {  	s1 =	sadd.s32 s1, s25;
	v2 =	vld.idx.msk [tilespmem:v8+s18+$0x0], $0xffff;
	v5 =	vadd.f32 v18, v5;
	v7 =	vmov v16;
	(pc) =	sbr.rel @p2 .LBB2_32-.Ltmp15, $4  }
0x1de: {  	s2 =	sor.u32 $0x80, s1;
	s4 =	sor.u32 $0x90, s1;
	s11 =	sor.u32 $0xA0, s1;
	v10 =	vld.idx.msk [tilespmem:v14+s18+$0x0], $0xffff;
	v1 =	vadd.f32 v19, v1;
	v13 =	vmul.f32 v12, v12;
	v9 =	vmov v11  }
0x1df: {  	s1 =	sor.u32 $0xB0, s1;
	v11 =	vld [tilespmem:s2+$0x1C700];
	v8 =	vmov v17  }
0x1e0: {  	v12 =	vld [tilespmem:s4+$0x1C700];
	v0 =	vadd.f32 v13, v0  }
0x1e1: {  	s28 =	sand.u32 $0xFC0, s0;
	s0 =	sadd.s32 $0x40, s0;
	v13 =	vld [tilespmem:s11+$0x1C700]  }
0x1e2: {  	_ =	sdelay $0x1  }
0x1e3: {  	v14 =	vld [tilespmem:s28+$0x3000];
	p1 =	por !p1, !p1;
	s0 =	simm.s32 $0x1  }
0x1e4: {  	v15 =	vld [tilespmem:s1+$0x1C700];
	s0 =	simm.s32 @!p1 $0x0  }
0x1e5: {  	v7 =	vld.idx.msk [tilespmem:v7+s18+$0x0], $0xffff;
	s29 =	sadd.s32 $0x80, s25;
	s0 =	sshll.u32 s0, $0x6  }
0x1e6: {  	v9 =	vld.idx.msk [tilespmem:v9+s18+$0x0], $0xffff;
	s0 =	sadd.s32 s0, s29  }
0x1e7: {  	v8 =	vld.idx.msk [tilespmem:v8+s18+$0x0], $0xffff;
	s1 =	sor.u32 $0x80, s0  }
0x1e8: {  	s2 =	sor.u32 $0x90, s0;
	v16 =	vld [tilespmem:s1+$0x1C700]  }
0x1e9: {  	s30 =	sor.u32 $0xA0, s0;
	v56 =	vld [tilespmem:s2+$0x1C700]  }
0x1ea: {  	s0 =	sor.u32 $0xB0, s0;
	v57 =	vld [tilespmem:s30+$0x1C700]  }
0x1eb: {  	v10 =	vsub.f32 v11, v10;
	v4 =	vsub.f32 v12, v4;
	v17 =	vld [tilespmem:s0+$0x1C700]  }
0x1ec: {  	v14 =	vld.idx.msk [tilespmem:v14+s18+$0x0], $0xffff  }
0x1ed: {  	v10 =	vmul.f32 v10, v10;
	v4 =	vmul.f32 v4, v4  }
0x1ee: {  	v3 =	vsub.f32 v13, v3;
	v2 =	vsub.f32 v15, v2  }
0x1ef: {  	v6 =	vadd.f32 v10, v6;
	v4 =	vadd.f32 v4, v5  }
0x1f0: {  	v3 =	vmul.f32 v3, v3;
	v7 =	vsub.f32 v56, v7;
	v9 =	vsub.f32 v57, v9  }
0x1f1: {  	v2 =	vmul.f32 v2, v2;
	v8 =	vsub.f32 v17, v8;
	v58 =	vsub.f32 v16, v14  }
0x1f2: {  	v1 =	vadd.f32 v3, v1;
	v60 =	vmul.f32 v7, v7;
	v61 =	vmul.f32 v9, v9  }
0x1f3: {  	v0 =	vadd.f32 v2, v0;
	v62 =	vmul.f32 v8, v8;
	v59 =	vmul.f32 v58, v58  }
0x1f4: {  	v4 =	vadd.f32 v60, v4;
	v1 =	vadd.f32 v61, v1  }
0x1f5: {  	v0 =	vadd.f32 v62, v0;
	v3 =	vadd.f32 v59, v6;
	_ =	sdelay $0x1  }
0x1f6: {  	v0 =	vadd.f32 v0, v1;
	v63 =	vadd.f32 v4, v3;
	_ =	sdelay $0x1  }
0x1f7: {  	s24 =	sadd.s32 $0x1, s24;
	v0 =	vadd.f32 v0, v63  }
0x1f8: {  	p1 =	sne.s32 s24, s15  }
.Ltmp16:
0x1f9: {  	s31 =	simm.s32 $0x1E700;
	[tilespmem:$0x1E700] =	vst v0;
	(pc) =	sbr.rel @p1 .LBB2_1-.Ltmp16, $4  }
0x1fa: {  	[hbm4b:s14+s3] =	stream.linear.scatter [tilespmem:s31], [sflag:$0x4], $0x80, $0x38;
	[tilespmem:$0x1EB80] =	vst v63  }
0x1fb: {  	_ =	swait.ge [sflag:s23], $0x80  }
0x1fc: {  	[sflag:s23] =	ssyncset.done $0x0  }
0x1fd: {  	s11 =	simm.s32 $0x80;
	[sflag:s23] =	ssyncadd.s32 $0xFFFFFF80  }
0x1fe: {  	_ =	sfence.sel $0x180000  }
0x1ff: {  	[bflag:$0x0] =	sbarrier.arrive $0xFFFF  }
0x200: {  	_ =	strace $0x90000047  }
0x201: {  	[bflag:$0x2] =	sbarrier.arrive $0xFFFF  }
0x202: {  	s0 =	rddreg [dreg:$0x5]  }
0x203: {  	s0 =	sadd.s32 @!p0 $0x100000, s0  }
0x204: {  	[sflag:s0] =	ssyncadd.tile.s32 @!p0 $0x1;
	_ =	shalt  }
.Lfunc_end2:
_tile_overlayer_lowered:
.L_overlay_start_2:
0x205: {  	(tag) =	ssettag $0x2  }
0x206: {  	s0 =	rddreg [dreg:$0x0];
	s2 =	stileid.u32  }
0x207: {  	s1 =	rddreg [dreg:$0x1];
	p0 =	sne.s32 s2, $0x0  }
0x208: {  	s3 =	rddreg [dreg:$0x2];
	[bflag:$0x3] =	sbarrier.arrive $0xFFFF;
	s2 =	simm.s32 @!p0 $0x1C04  }
0x209: {  	[timem:s3], [sflag:s2] =	dma.local @!p0 [hbm:s0], s1  }
0x20a: {  	s0 =	simm.s32 @!p0 $0x4  }
0x20b: {  	_ =	swait.ge @!p0 [sflag:s0], s1  }
0x20c: {  	s1 =	ssub.s32 @!p0 $0x0, s1;
	[sflag:s0] =	ssyncset.done @!p0 $0x0  }
0x20d: {  	[sflag:s0] =	ssyncadd.s32 @!p0 s1  }
0x20e: {  	[bflag:$0x3] =	sbarrier.arrive $0xFFFF  }
0x20f: {  	_ =	shalt  }

</sc_bundles>
